<compile_context>
chip_gen: v7x
topology: tpu7x:2x2x1
jax: 0.10.2.dev20260603
libtpu: 0.0.44.dev20260713+nightly
codegen_flags: <defaults>
</compile_context>

<pallas_src>
import jax
import jax.numpy as jnp
from jax import lax
from jax.experimental import pallas as pl
from jax.experimental.pallas import tpu as pltpu
from jax.experimental.pallas import tpu_sc as plsc

_NC = 2
_NS = 16
_NW = _NC * _NS
_LANES = 16
_IDX_W = 128


def _build(B, L, V, D):
    tokens = B * L
    chunk = tokens // _NW
    n_gather = chunk // _IDX_W

    mesh = plsc.VectorSubcoreMesh(
        core_axis_name="c", subcore_axis_name="s",
        num_cores=_NC, num_subcores=_NS,
    )

    def body(seq_hbm, tok_hbm, pos_hbm, out_hbm, idx_v, tok_v, pos_v,
             sem, sem_out):
        c = lax.axis_index("c")
        s = lax.axis_index("s")
        wid = s * _NC + c
        base = wid * chunk

        pltpu.sync_copy(seq_hbm.at[pl.ds(wid * n_gather, n_gather)], idx_v)

        for j in range(n_gather):
            pltpu.async_copy(
                tok_hbm.at[idx_v.at[j]],
                tok_v.at[pl.ds(j * _IDX_W, _IDX_W)],
                sem,
            )

        pos_base = lax.rem(base, L)
        pltpu.sync_copy(pos_hbm.at[pl.ds(pos_base, chunk)], pos_v)

        for j in range(n_gather):
            blk = pl.ds(j * _IDX_W, _IDX_W)
            pltpu.make_async_copy(
                tok_hbm.at[idx_v.at[j]], tok_v.at[blk], sem,
            ).wait()

            @plsc.parallel_loop(j * _IDX_W, (j + 1) * _IDX_W, unroll=4)
            def _add(i):
                for cb in range(D // _LANES):
                    sl = pl.ds(cb * _LANES, _LANES)
                    tok_v[i, sl] = tok_v[i, sl] + pos_v[i, sl]

            pltpu.async_copy(
                tok_v.at[blk],
                out_hbm.at[pl.ds(base + j * _IDX_W, _IDX_W)],
                sem_out,
            )

        for j in range(n_gather):
            pltpu.make_async_copy(
                tok_v.at[pl.ds(j * _IDX_W, _IDX_W)],
                out_hbm.at[pl.ds(base + j * _IDX_W, _IDX_W)],
                sem_out,
            ).wait()

    kern = pl.kernel(
        body,
        out_type=jax.ShapeDtypeStruct((tokens, D), jnp.float32),
        mesh=mesh,
        scratch_types=[
            pltpu.VMEM((n_gather, _IDX_W), jnp.int32),
            pltpu.VMEM((chunk, D), jnp.float32),
            pltpu.VMEM((chunk, D), jnp.float32),
            pltpu.SemaphoreType.DMA,
            pltpu.SemaphoreType.DMA,
        ],
    )
    return kern


def kernel(seq, tok_table, pos_table):
    B, L = seq.shape
    V, D = tok_table.shape
    seq_flat = seq.astype(jnp.int32).reshape(B * L // _IDX_W, _IDX_W)
    out = _build(B, L, V, D)(seq_flat, tok_table, pos_table)
    return out.reshape(B, L, D)

# --- scband reference (transcript-rebuilt; emitter-appended) ---
"""Pipeline reference for scband-distil-bertembedding-12292196401739 (READ-ONLY COPY).

The authoritative reference and input builder live on the scoring server;
editing this copy changes nothing except your own understanding.
"""

import jax, jax.numpy as jnp
import numpy as np

VOCAB = 100000
MAX_LEN = 2048
EMBED_DIM = 128
BATCH = 4


def setup_inputs(seed: int = 0) -> dict:
    key = jax.random.key(seed)
    k_seq, k_tok, k_pos = jax.random.split(key, 3)
    seq = jax.random.randint(k_seq, (BATCH, MAX_LEN), 0, VOCAB, dtype=jnp.int64 if jax.config.jax_enable_x64 else jnp.int32)
    tok_table = jax.random.normal(k_tok, (VOCAB, EMBED_DIM), dtype=jnp.float32)
    pos_table = jax.random.normal(k_pos, (MAX_LEN, EMBED_DIM), dtype=jnp.float32)
    return {"seq": seq, "tok_table": tok_table, "pos_table": pos_table}


def reference(seq, tok_table, pos_table):
    # tok_embed(seq): gather rows from token table -> [B, L, D]
    tok = jnp.take(tok_table, seq, axis=0)
    # pos_embed(pos_inp): full positional table gather via arange -> [L, D]
    pos_inp = jnp.arange(MAX_LEN)
    pos = jnp.take(pos_table, pos_inp, axis=0)
    # broadcast add [B, L, D] + [L, D]; dropout is identity in eval mode
    embed_val = tok + pos[None, :, :]
    return embed_val

if __name__ == "__main__":
    import jax
    _d = setup_inputs()
    print(jax.jit(kernel)(*tuple(_d.values())))

</pallas_src>

<mosaic_0001>
#map = affine_map<(d0, d1) -> (0, 0)>
module attributes {stable_mosaic.version = 14 : i64} {
  func.func @body(%arg0: i32, %arg1: i32, %arg2: memref<64x128xi32, #tpu.memory_space<hbm>>, %arg3: memref<100000x128xf32, #tpu.memory_space<hbm>>, %arg4: memref<2048x128xf32, #tpu.memory_space<hbm>>, %arg5: memref<8192x128xf32, #tpu.memory_space<hbm>>, %arg6: memref<2x128xi32, #tpu.memory_space<vmem>>, %arg7: memref<256x128xf32, #tpu.memory_space<vmem>>, %arg8: memref<256x128xf32, #tpu.memory_space<vmem>>, %arg9: memref<!tpu.dma_semaphore, #tpu.memory_space<semaphore_mem>>, %arg10: memref<!tpu.dma_semaphore, #tpu.memory_space<semaphore_mem>>) attributes {dimension_semantics = [#tpu.dimension_semantics<core_parallel>, #tpu.dimension_semantics<subcore_parallel>], iteration_bounds = array<i64: 2, 16>, scalar_prefetch = 0 : i64, scratch_operands = 5 : i64, tpu.core_type = #tpu.core_type<sc_vector_subcore>, window_params = [{transform_indices = #map}, {transform_indices = #map}, {transform_indices = #map}, {transform_indices = #map}]} {
    %mul3A = arith.constant 2 : i32
    %mul3A_0 = arith.muli %arg1, %mul3A : i32
    %add3A = arith.addi %mul3A_0, %arg0 : i32
    %mul3A_1 = arith.constant 256 : i32
    %mul3A_2 = arith.muli %add3A, %mul3A_1 : i32
    %mul3A_3 = arith.constant 2 : i32
    %mul3A_4 = arith.muli %add3A, %mul3A_3 : i32
    "tpu.region"() ({
      %run_scoped3A = tpu.sem_alloc : memref<!tpu.dma_semaphore, #tpu.memory_space<semaphore_mem>>
      %dma_start3A_97 = arith.constant 0 : i32
      %dma_start3A_98 = tpu.memref_slice %arg2[%mul3A_4, %dma_start3A_97] : memref<64x128xi32, #tpu.memory_space<hbm>> -> memref<2x128xi32, #tpu.memory_space<hbm>>
      %dma_start3A_99 = arith.constant 0 : i32
      %dma_start3A_100 = tpu.memref_slice %arg2[%mul3A_4, %dma_start3A_99] : memref<64x128xi32, #tpu.memory_space<hbm>> -> memref<2x128xi32, #tpu.memory_space<hbm>>
      tpu.enqueue_dma source(%dma_start3A_100 : memref<2x128xi32, #tpu.memory_space<hbm>>) target(%arg6 : memref<2x128xi32, #tpu.memory_space<vmem>>) target_semaphore(%run_scoped3A : memref<!tpu.dma_semaphore, #tpu.memory_space<semaphore_mem>>)
      %dma_wait3A_101 = arith.constant 0 : i32
      %dma_wait3A_102 = tpu.memref_slice %arg2[%mul3A_4, %dma_wait3A_101] : memref<64x128xi32, #tpu.memory_space<hbm>> -> memref<2x128xi32, #tpu.memory_space<hbm>>
      %dma_wait3A_103 = arith.constant 0 : i32
      %dma_wait3A_104 = tpu.memref_slice %arg2[%mul3A_4, %dma_wait3A_103] : memref<64x128xi32, #tpu.memory_space<hbm>> -> memref<2x128xi32, #tpu.memory_space<hbm>>
      tpu.wait_dma2 semaphore(%run_scoped3A : memref<!tpu.dma_semaphore, #tpu.memory_space<semaphore_mem>>) src(%dma_wait3A_104 : memref<2x128xi32, #tpu.memory_space<hbm>>) dst(%arg6 : memref<2x128xi32, #tpu.memory_space<vmem>>)
      tpu.yield
    }) : () -> ()
    %dma_start3A = arith.constant 0 : i32
    %dma_start3A_5 = arith.constant 0 : i32
    %dma_start3A_6 = arith.constant 0 : i32
    %dma_start3A_7 = tpu.memref_slice %arg7[%dma_start3A_5, %dma_start3A_6] : memref<256x128xf32, #tpu.memory_space<vmem>> -> memref<128x128xf32, #tpu.memory_space<vmem>>
    %dma_start3A_8 = arith.constant 0 : i32
    %dma_start3A_9 = tpu.memref_slice %arg6[%dma_start3A, %dma_start3A_8] : memref<2x128xi32, #tpu.memory_space<vmem>> -> memref<1x128xi32, #tpu.memory_space<vmem>>
    %dma_start3A_10 = tpu.memref_squeeze %dma_start3A_9 : memref<1x128xi32, #tpu.memory_space<vmem>> -> memref<128xi32, #tpu.memory_space<vmem>>
    %dma_start3A_11 = arith.constant 0 : i32
    %dma_start3A_12 = arith.constant 0 : i32
    %dma_start3A_13 = tpu.memref_slice %arg3[%dma_start3A_11, %dma_start3A_12] : memref<100000x128xf32, #tpu.memory_space<hbm>> -> memref<100000x128xf32, #tpu.memory_space<hbm>>
    tpu.enqueue_indirect_dma source(%dma_start3A_13 : memref<100000x128xf32, #tpu.memory_space<hbm>>) target(%dma_start3A_7 : memref<128x128xf32, #tpu.memory_space<vmem>>) offsets(%dma_start3A_10 : memref<128xi32, #tpu.memory_space<vmem>>) semaphore(%arg9 : memref<!tpu.dma_semaphore, #tpu.memory_space<semaphore_mem>>)
    %dma_start3A_14 = arith.constant 1 : i32
    %dma_start3A_15 = arith.constant 128 : i32
    %dma_start3A_16 = arith.constant 0 : i32
    %dma_start3A_17 = tpu.memref_slice %arg7[%dma_start3A_15, %dma_start3A_16] : memref<256x128xf32, #tpu.memory_space<vmem>> -> memref<128x128xf32, #tpu.memory_space<vmem>>
    %dma_start3A_18 = arith.constant 0 : i32
    %dma_start3A_19 = tpu.memref_slice %arg6[%dma_start3A_14, %dma_start3A_18] : memref<2x128xi32, #tpu.memory_space<vmem>> -> memref<1x128xi32, #tpu.memory_space<vmem>>
    %dma_start3A_20 = tpu.memref_squeeze %dma_start3A_19 : memref<1x128xi32, #tpu.memory_space<vmem>> -> memref<128xi32, #tpu.memory_space<vmem>>
    %dma_start3A_21 = arith.constant 0 : i32
    %dma_start3A_22 = arith.constant 0 : i32
    %dma_start3A_23 = tpu.memref_slice %arg3[%dma_start3A_21, %dma_start3A_22] : memref<100000x128xf32, #tpu.memory_space<hbm>> -> memref<100000x128xf32, #tpu.memory_space<hbm>>
    tpu.enqueue_indirect_dma source(%dma_start3A_23 : memref<100000x128xf32, #tpu.memory_space<hbm>>) target(%dma_start3A_17 : memref<128x128xf32, #tpu.memory_space<vmem>>) offsets(%dma_start3A_20 : memref<128xi32, #tpu.memory_space<vmem>>) semaphore(%arg9 : memref<!tpu.dma_semaphore, #tpu.memory_space<semaphore_mem>>)
    %rem3A = arith.constant 2048 : i32
    %rem3A_24 = arith.remsi %mul3A_2, %rem3A : i32
    "tpu.region"() ({
      %run_scoped3A = tpu.sem_alloc : memref<!tpu.dma_semaphore, #tpu.memory_space<semaphore_mem>>
      %dma_start3A_97 = arith.constant 0 : i32
      %dma_start3A_98 = tpu.memref_slice %arg4[%rem3A_24, %dma_start3A_97] : memref<2048x128xf32, #tpu.memory_space<hbm>> -> memref<256x128xf32, #tpu.memory_space<hbm>>
      %dma_start3A_99 = arith.constant 0 : i32
      %dma_start3A_100 = tpu.memref_slice %arg4[%rem3A_24, %dma_start3A_99] : memref<2048x128xf32, #tpu.memory_space<hbm>> -> memref<256x128xf32, #tpu.memory_space<hbm>>
      tpu.enqueue_dma source(%dma_start3A_100 : memref<256x128xf32, #tpu.memory_space<hbm>>) target(%arg8 : memref<256x128xf32, #tpu.memory_space<vmem>>) target_semaphore(%run_scoped3A : memref<!tpu.dma_semaphore, #tpu.memory_space<semaphore_mem>>)
      %dma_wait3A_101 = arith.constant 0 : i32
      %dma_wait3A_102 = tpu.memref_slice %arg4[%rem3A_24, %dma_wait3A_101] : memref<2048x128xf32, #tpu.memory_space<hbm>> -> memref<256x128xf32, #tpu.memory_space<hbm>>
      %dma_wait3A_103 = arith.constant 0 : i32
      %dma_wait3A_104 = tpu.memref_slice %arg4[%rem3A_24, %dma_wait3A_103] : memref<2048x128xf32, #tpu.memory_space<hbm>> -> memref<256x128xf32, #tpu.memory_space<hbm>>
      tpu.wait_dma2 semaphore(%run_scoped3A : memref<!tpu.dma_semaphore, #tpu.memory_space<semaphore_mem>>) src(%dma_wait3A_104 : memref<256x128xf32, #tpu.memory_space<hbm>>) dst(%arg8 : memref<256x128xf32, #tpu.memory_space<vmem>>)
      tpu.yield
    }) : () -> ()
    %dma_wait3A = arith.constant 0 : i32
    %dma_wait3A_25 = arith.constant 0 : i32
    %dma_wait3A_26 = arith.constant 0 : i32
    %dma_wait3A_27 = tpu.memref_slice %arg7[%dma_wait3A_25, %dma_wait3A_26] : memref<256x128xf32, #tpu.memory_space<vmem>> -> memref<128x128xf32, #tpu.memory_space<vmem>>
    %dma_wait3A_28 = arith.constant 0 : i32
    %dma_wait3A_29 = tpu.memref_slice %arg6[%dma_wait3A, %dma_wait3A_28] : memref<2x128xi32, #tpu.memory_space<vmem>> -> memref<1x128xi32, #tpu.memory_space<vmem>>
    %dma_wait3A_30 = tpu.memref_squeeze %dma_wait3A_29 : memref<1x128xi32, #tpu.memory_space<vmem>> -> memref<128xi32, #tpu.memory_space<vmem>>
    %dma_wait3A_31 = arith.constant 0 : i32
    %dma_wait3A_32 = arith.constant 0 : i32
    %dma_wait3A_33 = tpu.memref_slice %arg3[%dma_wait3A_31, %dma_wait3A_32] : memref<100000x128xf32, #tpu.memory_space<hbm>> -> memref<100000x128xf32, #tpu.memory_space<hbm>>
    tpu.wait_indirect_dma semaphore(%arg9 : memref<!tpu.dma_semaphore, #tpu.memory_space<semaphore_mem>>) src(%dma_wait3A_33 : memref<100000x128xf32, #tpu.memory_space<hbm>>) dst(%dma_wait3A_27 : memref<128x128xf32, #tpu.memory_space<vmem>>)
    %parallel_loop3A = arith.constant 0 : i32
    %parallel_loop3A_34 = arith.constant 128 : i32
    %parallel_loop3A_35 = arith.constant 1 : i32
    scf.for %parallel_loop3A_97 = %parallel_loop3A to %parallel_loop3A_34 step %parallel_loop3A_35  : i32 {
      %parallel_loop3A_98 = arith.index_cast %parallel_loop3A_97 : i32 to index
      %parallel_loop3A_99 = arith.constant 0 : index
      %parallel_loop3A_100 = tpu.vector_load %arg7[%parallel_loop3A_98, %parallel_loop3A_99] {strides = array<i32>} : memref<256x128xf32, #tpu.memory_space<vmem>>, vector<1x16xf32>,
      %parallel_loop3A_101 = vector.shape_cast %parallel_loop3A_100 : vector<1x16xf32> to vector<16xf32>
      %parallel_loop3A_102 = arith.index_cast %parallel_loop3A_97 : i32 to index
      %parallel_loop3A_103 = arith.constant 0 : index
      %parallel_loop3A_104 = tpu.vector_load %arg8[%parallel_loop3A_102, %parallel_loop3A_103] {strides = array<i32>} : memref<256x128xf32, #tpu.memory_space<vmem>>, vector<1x16xf32>,
      %parallel_loop3A_105 = vector.shape_cast %parallel_loop3A_104 : vector<1x16xf32> to vector<16xf32>
      %parallel_loop3A_106 = arith.addf %parallel_loop3A_101, %parallel_loop3A_105 : vector<16xf32>
      %parallel_loop3A_107 = arith.index_cast %parallel_loop3A_97 : i32 to index
      %parallel_loop3A_108 = arith.constant 0 : index
      %parallel_loop3A_109 = tpu.vector_load %arg7[%parallel_loop3A_107, %parallel_loop3A_108] {strides = array<i32>} : memref<256x128xf32, #tpu.memory_space<vmem>>, vector<1x16xf32>,
      %parallel_loop3A_110 = vector.shape_cast %parallel_loop3A_109 : vector<1x16xf32> to vector<16xf32>
      %parallel_loop3A_111 = vector.shape_cast %parallel_loop3A_106 : vector<16xf32> to vector<1x16xf32>
      tpu.vector_store %arg7[%parallel_loop3A_107, %parallel_loop3A_108], %parallel_loop3A_111 {strides = array<i32>} : memref<256x128xf32, #tpu.memory_space<vmem>>, vector<1x16xf32>,
      %parallel_loop3A_112 = arith.index_cast %parallel_loop3A_97 : i32 to index
      %parallel_loop3A_113 = arith.constant 16 : index
      %parallel_loop3A_114 = tpu.vector_load %arg7[%parallel_loop3A_112, %parallel_loop3A_113] {strides = array<i32>} : memref<256x128xf32, #tpu.memory_space<vmem>>, vector<1x16xf32>,
      %parallel_loop3A_115 = vector.shape_cast %parallel_loop3A_114 : vector<1x16xf32> to vector<16xf32>
      %parallel_loop3A_116 = arith.index_cast %parallel_loop3A_97 : i32 to index
      %parallel_loop3A_117 = arith.constant 16 : index
      %parallel_loop3A_118 = tpu.vector_load %arg8[%parallel_loop3A_116, %parallel_loop3A_117] {strides = array<i32>} : memref<256x128xf32, #tpu.memory_space<vmem>>, vector<1x16xf32>,
      %parallel_loop3A_119 = vector.shape_cast %parallel_loop3A_118 : vector<1x16xf32> to vector<16xf32>
      %parallel_loop3A_120 = arith.addf %parallel_loop3A_115, %parallel_loop3A_119 : vector<16xf32>
      %parallel_loop3A_121 = arith.index_cast %parallel_loop3A_97 : i32 to index
      %parallel_loop3A_122 = arith.constant 16 : index
      %parallel_loop3A_123 = tpu.vector_load %arg7[%parallel_loop3A_121, %parallel_loop3A_122] {strides = array<i32>} : memref<256x128xf32, #tpu.memory_space<vmem>>, vector<1x16xf32>,
      %parallel_loop3A_124 = vector.shape_cast %parallel_loop3A_123 : vector<1x16xf32> to vector<16xf32>
      %parallel_loop3A_125 = vector.shape_cast %parallel_loop3A_120 : vector<16xf32> to vector<1x16xf32>
      tpu.vector_store %arg7[%parallel_loop3A_121, %parallel_loop3A_122], %parallel_loop3A_125 {strides = array<i32>} : memref<256x128xf32, #tpu.memory_space<vmem>>, vector<1x16xf32>,
      %parallel_loop3A_126 = arith.index_cast %parallel_loop3A_97 : i32 to index
      %parallel_loop3A_127 = arith.constant 32 : index
      %parallel_loop3A_128 = tpu.vector_load %arg7[%parallel_loop3A_126, %parallel_loop3A_127] {strides = array<i32>} : memref<256x128xf32, #tpu.memory_space<vmem>>, vector<1x16xf32>,
      %parallel_loop3A_129 = vector.shape_cast %parallel_loop3A_128 : vector<1x16xf32> to vector<16xf32>
      %parallel_loop3A_130 = arith.index_cast %parallel_loop3A_97 : i32 to index
      %parallel_loop3A_131 = arith.constant 32 : index
      %parallel_loop3A_132 = tpu.vector_load %arg8[%parallel_loop3A_130, %parallel_loop3A_131] {strides = array<i32>} : memref<256x128xf32, #tpu.memory_space<vmem>>, vector<1x16xf32>,
      %parallel_loop3A_133 = vector.shape_cast %parallel_loop3A_132 : vector<1x16xf32> to vector<16xf32>
      %parallel_loop3A_134 = arith.addf %parallel_loop3A_129, %parallel_loop3A_133 : vector<16xf32>
      %parallel_loop3A_135 = arith.index_cast %parallel_loop3A_97 : i32 to index
      %parallel_loop3A_136 = arith.constant 32 : index
      %parallel_loop3A_137 = tpu.vector_load %arg7[%parallel_loop3A_135, %parallel_loop3A_136] {strides = array<i32>} : memref<256x128xf32, #tpu.memory_space<vmem>>, vector<1x16xf32>,
      %parallel_loop3A_138 = vector.shape_cast %parallel_loop3A_137 : vector<1x16xf32> to vector<16xf32>
      %parallel_loop3A_139 = vector.shape_cast %parallel_loop3A_134 : vector<16xf32> to vector<1x16xf32>
      tpu.vector_store %arg7[%parallel_loop3A_135, %parallel_loop3A_136], %parallel_loop3A_139 {strides = array<i32>} : memref<256x128xf32, #tpu.memory_space<vmem>>, vector<1x16xf32>,
      %parallel_loop3A_140 = arith.index_cast %parallel_loop3A_97 : i32 to index
      %parallel_loop3A_141 = arith.constant 48 : index
      %parallel_loop3A_142 = tpu.vector_load %arg7[%parallel_loop3A_140, %parallel_loop3A_141] {strides = array<i32>} : memref<256x128xf32, #tpu.memory_space<vmem>>, vector<1x16xf32>,
      %parallel_loop3A_143 = vector.shape_cast %parallel_loop3A_142 : vector<1x16xf32> to vector<16xf32>
      %parallel_loop3A_144 = arith.index_cast %parallel_loop3A_97 : i32 to index
      %parallel_loop3A_145 = arith.constant 48 : index
      %parallel_loop3A_146 = tpu.vector_load %arg8[%parallel_loop3A_144, %parallel_loop3A_145] {strides = array<i32>} : memref<256x128xf32, #tpu.memory_space<vmem>>, vector<1x16xf32>,
      %parallel_loop3A_147 = vector.shape_cast %parallel_loop3A_146 : vector<1x16xf32> to vector<16xf32>
      %parallel_loop3A_148 = arith.addf %parallel_loop3A_143, %parallel_loop3A_147 : vector<16xf32>
      %parallel_loop3A_149 = arith.index_cast %parallel_loop3A_97 : i32 to index
      %parallel_loop3A_150 = arith.constant 48 : index
      %parallel_loop3A_151 = tpu.vector_load %arg7[%parallel_loop3A_149, %parallel_loop3A_150] {strides = array<i32>} : memref<256x128xf32, #tpu.memory_space<vmem>>, vector<1x16xf32>,
      %parallel_loop3A_152 = vector.shape_cast %parallel_loop3A_151 : vector<1x16xf32> to vector<16xf32>
      %parallel_loop3A_153 = vector.shape_cast %parallel_loop3A_148 : vector<16xf32> to vector<1x16xf32>
      tpu.vector_store %arg7[%parallel_loop3A_149, %parallel_loop3A_150], %parallel_loop3A_153 {strides = array<i32>} : memref<256x128xf32, #tpu.memory_space<vmem>>, vector<1x16xf32>,
      %parallel_loop3A_154 = arith.index_cast %parallel_loop3A_97 : i32 to index
      %parallel_loop3A_155 = arith.constant 64 : index
      %parallel_loop3A_156 = tpu.vector_load %arg7[%parallel_loop3A_154, %parallel_loop3A_155] {strides = array<i32>} : memref<256x128xf32, #tpu.memory_space<vmem>>, vector<1x16xf32>,
      %parallel_loop3A_157 = vector.shape_cast %parallel_loop3A_156 : vector<1x16xf32> to vector<16xf32>
      %parallel_loop3A_158 = arith.index_cast %parallel_loop3A_97 : i32 to index
      %parallel_loop3A_159 = arith.constant 64 : index
      %parallel_loop3A_160 = tpu.vector_load %arg8[%parallel_loop3A_158, %parallel_loop3A_159] {strides = array<i32>} : memref<256x128xf32, #tpu.memory_space<vmem>>, vector<1x16xf32>,
      %parallel_loop3A_161 = vector.shape_cast %parallel_loop3A_160 : vector<1x16xf32> to vector<16xf32>
      %parallel_loop3A_162 = arith.addf %parallel_loop3A_157, %parallel_loop3A_161 : vector<16xf32>
      %parallel_loop3A_163 = arith.index_cast %parallel_loop3A_97 : i32 to index
      %parallel_loop3A_164 = arith.constant 64 : index
      %parallel_loop3A_165 = tpu.vector_load %arg7[%parallel_loop3A_163, %parallel_loop3A_164] {strides = array<i32>} : memref<256x128xf32, #tpu.memory_space<vmem>>, vector<1x16xf32>,
      %parallel_loop3A_166 = vector.shape_cast %parallel_loop3A_165 : vector<1x16xf32> to vector<16xf32>
      %parallel_loop3A_167 = vector.shape_cast %parallel_loop3A_162 : vector<16xf32> to vector<1x16xf32>
      tpu.vector_store %arg7[%parallel_loop3A_163, %parallel_loop3A_164], %parallel_loop3A_167 {strides = array<i32>} : memref<256x128xf32, #tpu.memory_space<vmem>>, vector<1x16xf32>,
      %parallel_loop3A_168 = arith.index_cast %parallel_loop3A_97 : i32 to index
      %parallel_loop3A_169 = arith.constant 80 : index
      %parallel_loop3A_170 = tpu.vector_load %arg7[%parallel_loop3A_168, %parallel_loop3A_169] {strides = array<i32>} : memref<256x128xf32, #tpu.memory_space<vmem>>, vector<1x16xf32>,
      %parallel_loop3A_171 = vector.shape_cast %parallel_loop3A_170 : vector<1x16xf32> to vector<16xf32>
      %parallel_loop3A_172 = arith.index_cast %parallel_loop3A_97 : i32 to index
      %parallel_loop3A_173 = arith.constant 80 : index
      %parallel_loop3A_174 = tpu.vector_load %arg8[%parallel_loop3A_172, %parallel_loop3A_173] {strides = array<i32>} : memref<256x128xf32, #tpu.memory_space<vmem>>, vector<1x16xf32>,
      %parallel_loop3A_175 = vector.shape_cast %parallel_loop3A_174 : vector<1x16xf32> to vector<16xf32>
      %parallel_loop3A_176 = arith.addf %parallel_loop3A_171, %parallel_loop3A_175 : vector<16xf32>
      %parallel_loop3A_177 = arith.index_cast %parallel_loop3A_97 : i32 to index
      %parallel_loop3A_178 = arith.constant 80 : index
      %parallel_loop3A_179 = tpu.vector_load %arg7[%parallel_loop3A_177, %parallel_loop3A_178] {strides = array<i32>} : memref<256x128xf32, #tpu.memory_space<vmem>>, vector<1x16xf32>,
      %parallel_loop3A_180 = vector.shape_cast %parallel_loop3A_179 : vector<1x16xf32> to vector<16xf32>
      %parallel_loop3A_181 = vector.shape_cast %parallel_loop3A_176 : vector<16xf32> to vector<1x16xf32>
      tpu.vector_store %arg7[%parallel_loop3A_177, %parallel_loop3A_178], %parallel_loop3A_181 {strides = array<i32>} : memref<256x128xf32, #tpu.memory_space<vmem>>, vector<1x16xf32>,
      %parallel_loop3A_182 = arith.index_cast %parallel_loop3A_97 : i32 to index
      %parallel_loop3A_183 = arith.constant 96 : index
      %parallel_loop3A_184 = tpu.vector_load %arg7[%parallel_loop3A_182, %parallel_loop3A_183] {strides = array<i32>} : memref<256x128xf32, #tpu.memory_space<vmem>>, vector<1x16xf32>,
      %parallel_loop3A_185 = vector.shape_cast %parallel_loop3A_184 : vector<1x16xf32> to vector<16xf32>
      %parallel_loop3A_186 = arith.index_cast %parallel_loop3A_97 : i32 to index
      %parallel_loop3A_187 = arith.constant 96 : index
      %parallel_loop3A_188 = tpu.vector_load %arg8[%parallel_loop3A_186, %parallel_loop3A_187] {strides = array<i32>} : memref<256x128xf32, #tpu.memory_space<vmem>>, vector<1x16xf32>,
      %parallel_loop3A_189 = vector.shape_cast %parallel_loop3A_188 : vector<1x16xf32> to vector<16xf32>
      %parallel_loop3A_190 = arith.addf %parallel_loop3A_185, %parallel_loop3A_189 : vector<16xf32>
      %parallel_loop3A_191 = arith.index_cast %parallel_loop3A_97 : i32 to index
      %parallel_loop3A_192 = arith.constant 96 : index
      %parallel_loop3A_193 = tpu.vector_load %arg7[%parallel_loop3A_191, %parallel_loop3A_192] {strides = array<i32>} : memref<256x128xf32, #tpu.memory_space<vmem>>, vector<1x16xf32>,
      %parallel_loop3A_194 = vector.shape_cast %parallel_loop3A_193 : vector<1x16xf32> to vector<16xf32>
      %parallel_loop3A_195 = vector.shape_cast %parallel_loop3A_190 : vector<16xf32> to vector<1x16xf32>
      tpu.vector_store %arg7[%parallel_loop3A_191, %parallel_loop3A_192], %parallel_loop3A_195 {strides = array<i32>} : memref<256x128xf32, #tpu.memory_space<vmem>>, vector<1x16xf32>,
      %parallel_loop3A_196 = arith.index_cast %parallel_loop3A_97 : i32 to index
      %parallel_loop3A_197 = arith.constant 112 : index
      %parallel_loop3A_198 = tpu.vector_load %arg7[%parallel_loop3A_196, %parallel_loop3A_197] {strides = array<i32>} : memref<256x128xf32, #tpu.memory_space<vmem>>, vector<1x16xf32>,
      %parallel_loop3A_199 = vector.shape_cast %parallel_loop3A_198 : vector<1x16xf32> to vector<16xf32>
      %parallel_loop3A_200 = arith.index_cast %parallel_loop3A_97 : i32 to index
      %parallel_loop3A_201 = arith.constant 112 : index
      %parallel_loop3A_202 = tpu.vector_load %arg8[%parallel_loop3A_200, %parallel_loop3A_201] {strides = array<i32>} : memref<256x128xf32, #tpu.memory_space<vmem>>, vector<1x16xf32>,
      %parallel_loop3A_203 = vector.shape_cast %parallel_loop3A_202 : vector<1x16xf32> to vector<16xf32>
      %parallel_loop3A_204 = arith.addf %parallel_loop3A_199, %parallel_loop3A_203 : vector<16xf32>
      %parallel_loop3A_205 = arith.index_cast %parallel_loop3A_97 : i32 to index
      %parallel_loop3A_206 = arith.constant 112 : index
      %parallel_loop3A_207 = tpu.vector_load %arg7[%parallel_loop3A_205, %parallel_loop3A_206] {strides = array<i32>} : memref<256x128xf32, #tpu.memory_space<vmem>>, vector<1x16xf32>,
      %parallel_loop3A_208 = vector.shape_cast %parallel_loop3A_207 : vector<1x16xf32> to vector<16xf32>
      %parallel_loop3A_209 = vector.shape_cast %parallel_loop3A_204 : vector<16xf32> to vector<1x16xf32>
      tpu.vector_store %arg7[%parallel_loop3A_205, %parallel_loop3A_206], %parallel_loop3A_209 {strides = array<i32>} : memref<256x128xf32, #tpu.memory_space<vmem>>, vector<1x16xf32>,
    } {sc.loop_unroll_factor = 4 : i64, sc.parallel_access}
    %add3A_36 = arith.constant 0 : i32
    %add3A_37 = arith.addi %mul3A_2, %add3A_36 : i32
    %dma_start3A_38 = arith.constant 0 : i32
    %dma_start3A_39 = arith.constant 0 : i32
    %dma_start3A_40 = tpu.memref_slice %arg7[%dma_start3A_38, %dma_start3A_39] : memref<256x128xf32, #tpu.memory_space<vmem>> -> memref<128x128xf32, #tpu.memory_space<vmem>>
    %dma_start3A_41 = arith.constant 0 : i32
    %dma_start3A_42 = tpu.memref_slice %arg5[%add3A_37, %dma_start3A_41] : memref<8192x128xf32, #tpu.memory_space<hbm>> -> memref<128x128xf32, #tpu.memory_space<hbm>>
    %dma_start3A_43 = arith.constant 0 : i32
    %dma_start3A_44 = tpu.memref_slice %arg5[%add3A_37, %dma_start3A_43] : memref<8192x128xf32, #tpu.memory_space<hbm>> -> memref<128x128xf32, #tpu.memory_space<hbm>>
    %dma_start3A_45 = arith.constant 0 : i32
    %dma_start3A_46 = arith.constant 0 : i32
    %dma_start3A_47 = tpu.memref_slice %arg7[%dma_start3A_45, %dma_start3A_46] : memref<256x128xf32, #tpu.memory_space<vmem>> -> memref<128x128xf32, #tpu.memory_space<vmem>>
    tpu.enqueue_dma source(%dma_start3A_47 : memref<128x128xf32, #tpu.memory_space<vmem>>) target(%dma_start3A_44 : memref<128x128xf32, #tpu.memory_space<hbm>>) target_semaphore(%arg10 : memref<!tpu.dma_semaphore, #tpu.memory_space<semaphore_mem>>)
    %dma_wait3A_48 = arith.constant 1 : i32
    %dma_wait3A_49 = arith.constant 128 : i32
    %dma_wait3A_50 = arith.constant 0 : i32
    %dma_wait3A_51 = tpu.memref_slice %arg7[%dma_wait3A_49, %dma_wait3A_50] : memref<256x128xf32, #tpu.memory_space<vmem>> -> memref<128x128xf32, #tpu.memory_space<vmem>>
    %dma_wait3A_52 = arith.constant 0 : i32
    %dma_wait3A_53 = tpu.memref_slice %arg6[%dma_wait3A_48, %dma_wait3A_52] : memref<2x128xi32, #tpu.memory_space<vmem>> -> memref<1x128xi32, #tpu.memory_space<vmem>>
    %dma_wait3A_54 = tpu.memref_squeeze %dma_wait3A_53 : memref<1x128xi32, #tpu.memory_space<vmem>> -> memref<128xi32, #tpu.memory_space<vmem>>
    %dma_wait3A_55 = arith.constant 0 : i32
    %dma_wait3A_56 = arith.constant 0 : i32
    %dma_wait3A_57 = tpu.memref_slice %arg3[%dma_wait3A_55, %dma_wait3A_56] : memref<100000x128xf32, #tpu.memory_space<hbm>> -> memref<100000x128xf32, #tpu.memory_space<hbm>>
    tpu.wait_indirect_dma semaphore(%arg9 : memref<!tpu.dma_semaphore, #tpu.memory_space<semaphore_mem>>) src(%dma_wait3A_57 : memref<100000x128xf32, #tpu.memory_space<hbm>>) dst(%dma_wait3A_51 : memref<128x128xf32, #tpu.memory_space<vmem>>)
    %parallel_loop3A_58 = arith.constant 128 : i32
    %parallel_loop3A_59 = arith.constant 256 : i32
    %parallel_loop3A_60 = arith.constant 1 : i32
    scf.for %parallel_loop3A_97 = %parallel_loop3A_58 to %parallel_loop3A_59 step %parallel_loop3A_60  : i32 {
      %parallel_loop3A_98 = arith.index_cast %parallel_loop3A_97 : i32 to index
      %parallel_loop3A_99 = arith.constant 0 : index
      %parallel_loop3A_100 = tpu.vector_load %arg7[%parallel_loop3A_98, %parallel_loop3A_99] {strides = array<i32>} : memref<256x128xf32, #tpu.memory_space<vmem>>, vector<1x16xf32>,
      %parallel_loop3A_101 = vector.shape_cast %parallel_loop3A_100 : vector<1x16xf32> to vector<16xf32>
      %parallel_loop3A_102 = arith.index_cast %parallel_loop3A_97 : i32 to index
      %parallel_loop3A_103 = arith.constant 0 : index
      %parallel_loop3A_104 = tpu.vector_load %arg8[%parallel_loop3A_102, %parallel_loop3A_103] {strides = array<i32>} : memref<256x128xf32, #tpu.memory_space<vmem>>, vector<1x16xf32>,
      %parallel_loop3A_105 = vector.shape_cast %parallel_loop3A_104 : vector<1x16xf32> to vector<16xf32>
      %parallel_loop3A_106 = arith.addf %parallel_loop3A_101, %parallel_loop3A_105 : vector<16xf32>
      %parallel_loop3A_107 = arith.index_cast %parallel_loop3A_97 : i32 to index
      %parallel_loop3A_108 = arith.constant 0 : index
      %parallel_loop3A_109 = tpu.vector_load %arg7[%parallel_loop3A_107, %parallel_loop3A_108] {strides = array<i32>} : memref<256x128xf32, #tpu.memory_space<vmem>>, vector<1x16xf32>,
      %parallel_loop3A_110 = vector.shape_cast %parallel_loop3A_109 : vector<1x16xf32> to vector<16xf32>
      %parallel_loop3A_111 = vector.shape_cast %parallel_loop3A_106 : vector<16xf32> to vector<1x16xf32>
      tpu.vector_store %arg7[%parallel_loop3A_107, %parallel_loop3A_108], %parallel_loop3A_111 {strides = array<i32>} : memref<256x128xf32, #tpu.memory_space<vmem>>, vector<1x16xf32>,
      %parallel_loop3A_112 = arith.index_cast %parallel_loop3A_97 : i32 to index
      %parallel_loop3A_113 = arith.constant 16 : index
      %parallel_loop3A_114 = tpu.vector_load %arg7[%parallel_loop3A_112, %parallel_loop3A_113] {strides = array<i32>} : memref<256x128xf32, #tpu.memory_space<vmem>>, vector<1x16xf32>,
      %parallel_loop3A_115 = vector.shape_cast %parallel_loop3A_114 : vector<1x16xf32> to vector<16xf32>
      %parallel_loop3A_116 = arith.index_cast %parallel_loop3A_97 : i32 to index
      %parallel_loop3A_117 = arith.constant 16 : index
      %parallel_loop3A_118 = tpu.vector_load %arg8[%parallel_loop3A_116, %parallel_loop3A_117] {strides = array<i32>} : memref<256x128xf32, #tpu.memory_space<vmem>>, vector<1x16xf32>,
      %parallel_loop3A_119 = vector.shape_cast %parallel_loop3A_118 : vector<1x16xf32> to vector<16xf32>
      %parallel_loop3A_120 = arith.addf %parallel_loop3A_115, %parallel_loop3A_119 : vector<16xf32>
      %parallel_loop3A_121 = arith.index_cast %parallel_loop3A_97 : i32 to index
      %parallel_loop3A_122 = arith.constant 16 : index
      %parallel_loop3A_123 = tpu.vector_load %arg7[%parallel_loop3A_121, %parallel_loop3A_122] {strides = array<i32>} : memref<256x128xf32, #tpu.memory_space<vmem>>, vector<1x16xf32>,
      %parallel_loop3A_124 = vector.shape_cast %parallel_loop3A_123 : vector<1x16xf32> to vector<16xf32>
      %parallel_loop3A_125 = vector.shape_cast %parallel_loop3A_120 : vector<16xf32> to vector<1x16xf32>
      tpu.vector_store %arg7[%parallel_loop3A_121, %parallel_loop3A_122], %parallel_loop3A_125 {strides = array<i32>} : memref<256x128xf32, #tpu.memory_space<vmem>>, vector<1x16xf32>,
      %parallel_loop3A_126 = arith.index_cast %parallel_loop3A_97 : i32 to index
      %parallel_loop3A_127 = arith.constant 32 : index
      %parallel_loop3A_128 = tpu.vector_load %arg7[%parallel_loop3A_126, %parallel_loop3A_127] {strides = array<i32>} : memref<256x128xf32, #tpu.memory_space<vmem>>, vector<1x16xf32>,
      %parallel_loop3A_129 = vector.shape_cast %parallel_loop3A_128 : vector<1x16xf32> to vector<16xf32>
      %parallel_loop3A_130 = arith.index_cast %parallel_loop3A_97 : i32 to index
      %parallel_loop3A_131 = arith.constant 32 : index
      %parallel_loop3A_132 = tpu.vector_load %arg8[%parallel_loop3A_130, %parallel_loop3A_131] {strides = array<i32>} : memref<256x128xf32, #tpu.memory_space<vmem>>, vector<1x16xf32>,
      %parallel_loop3A_133 = vector.shape_cast %parallel_loop3A_132 : vector<1x16xf32> to vector<16xf32>
      %parallel_loop3A_134 = arith.addf %parallel_loop3A_129, %parallel_loop3A_133 : vector<16xf32>
      %parallel_loop3A_135 = arith.index_cast %parallel_loop3A_97 : i32 to index
      %parallel_loop3A_136 = arith.constant 32 : index
      %parallel_loop3A_137 = tpu.vector_load %arg7[%parallel_loop3A_135, %parallel_loop3A_136] {strides = array<i32>} : memref<256x128xf32, #tpu.memory_space<vmem>>, vector<1x16xf32>,
      %parallel_loop3A_138 = vector.shape_cast %parallel_loop3A_137 : vector<1x16xf32> to vector<16xf32>
      %parallel_loop3A_139 = vector.shape_cast %parallel_loop3A_134 : vector<16xf32> to vector<1x16xf32>
      tpu.vector_store %arg7[%parallel_loop3A_135, %parallel_loop3A_136], %parallel_loop3A_139 {strides = array<i32>} : memref<256x128xf32, #tpu.memory_space<vmem>>, vector<1x16xf32>,
      %parallel_loop3A_140 = arith.index_cast %parallel_loop3A_97 : i32 to index
      %parallel_loop3A_141 = arith.constant 48 : index
      %parallel_loop3A_142 = tpu.vector_load %arg7[%parallel_loop3A_140, %parallel_loop3A_141] {strides = array<i32>} : memref<256x128xf32, #tpu.memory_space<vmem>>, vector<1x16xf32>,
      %parallel_loop3A_143 = vector.shape_cast %parallel_loop3A_142 : vector<1x16xf32> to vector<16xf32>
      %parallel_loop3A_144 = arith.index_cast %parallel_loop3A_97 : i32 to index
      %parallel_loop3A_145 = arith.constant 48 : index
      %parallel_loop3A_146 = tpu.vector_load %arg8[%parallel_loop3A_144, %parallel_loop3A_145] {strides = array<i32>} : memref<256x128xf32, #tpu.memory_space<vmem>>, vector<1x16xf32>,
      %parallel_loop3A_147 = vector.shape_cast %parallel_loop3A_146 : vector<1x16xf32> to vector<16xf32>
      %parallel_loop3A_148 = arith.addf %parallel_loop3A_143, %parallel_loop3A_147 : vector<16xf32>
      %parallel_loop3A_149 = arith.index_cast %parallel_loop3A_97 : i32 to index
      %parallel_loop3A_150 = arith.constant 48 : index
      %parallel_loop3A_151 = tpu.vector_load %arg7[%parallel_loop3A_149, %parallel_loop3A_150] {strides = array<i32>} : memref<256x128xf32, #tpu.memory_space<vmem>>, vector<1x16xf32>,
      %parallel_loop3A_152 = vector.shape_cast %parallel_loop3A_151 : vector<1x16xf32> to vector<16xf32>
      %parallel_loop3A_153 = vector.shape_cast %parallel_loop3A_148 : vector<16xf32> to vector<1x16xf32>
      tpu.vector_store %arg7[%parallel_loop3A_149, %parallel_loop3A_150], %parallel_loop3A_153 {strides = array<i32>} : memref<256x128xf32, #tpu.memory_space<vmem>>, vector<1x16xf32>,
      %parallel_loop3A_154 = arith.index_cast %parallel_loop3A_97 : i32 to index
      %parallel_loop3A_155 = arith.constant 64 : index
      %parallel_loop3A_156 = tpu.vector_load %arg7[%parallel_loop3A_154, %parallel_loop3A_155] {strides = array<i32>} : memref<256x128xf32, #tpu.memory_space<vmem>>, vector<1x16xf32>,
      %parallel_loop3A_157 = vector.shape_cast %parallel_loop3A_156 : vector<1x16xf32> to vector<16xf32>
      %parallel_loop3A_158 = arith.index_cast %parallel_loop3A_97 : i32 to index
      %parallel_loop3A_159 = arith.constant 64 : index
      %parallel_loop3A_160 = tpu.vector_load %arg8[%parallel_loop3A_158, %parallel_loop3A_159] {strides = array<i32>} : memref<256x128xf32, #tpu.memory_space<vmem>>, vector<1x16xf32>,
      %parallel_loop3A_161 = vector.shape_cast %parallel_loop3A_160 : vector<1x16xf32> to vector<16xf32>
      %parallel_loop3A_162 = arith.addf %parallel_loop3A_157, %parallel_loop3A_161 : vector<16xf32>
      %parallel_loop3A_163 = arith.index_cast %parallel_loop3A_97 : i32 to index
      %parallel_loop3A_164 = arith.constant 64 : index
      %parallel_loop3A_165 = tpu.vector_load %arg7[%parallel_loop3A_163, %parallel_loop3A_164] {strides = array<i32>} : memref<256x128xf32, #tpu.memory_space<vmem>>, vector<1x16xf32>,
      %parallel_loop3A_166 = vector.shape_cast %parallel_loop3A_165 : vector<1x16xf32> to vector<16xf32>
      %parallel_loop3A_167 = vector.shape_cast %parallel_loop3A_162 : vector<16xf32> to vector<1x16xf32>
      tpu.vector_store %arg7[%parallel_loop3A_163, %parallel_loop3A_164], %parallel_loop3A_167 {strides = array<i32>} : memref<256x128xf32, #tpu.memory_space<vmem>>, vector<1x16xf32>,
      %parallel_loop3A_168 = arith.index_cast %parallel_loop3A_97 : i32 to index
      %parallel_loop3A_169 = arith.constant 80 : index
      %parallel_loop3A_170 = tpu.vector_load %arg7[%parallel_loop3A_168, %parallel_loop3A_169] {strides = array<i32>} : memref<256x128xf32, #tpu.memory_space<vmem>>, vector<1x16xf32>,
      %parallel_loop3A_171 = vector.shape_cast %parallel_loop3A_170 : vector<1x16xf32> to vector<16xf32>
      %parallel_loop3A_172 = arith.index_cast %parallel_loop3A_97 : i32 to index
      %parallel_loop3A_173 = arith.constant 80 : index
      %parallel_loop3A_174 = tpu.vector_load %arg8[%parallel_loop3A_172, %parallel_loop3A_173] {strides = array<i32>} : memref<256x128xf32, #tpu.memory_space<vmem>>, vector<1x16xf32>,
      %parallel_loop3A_175 = vector.shape_cast %parallel_loop3A_174 : vector<1x16xf32> to vector<16xf32>
      %parallel_loop3A_176 = arith.addf %parallel_loop3A_171, %parallel_loop3A_175 : vector<16xf32>
      %parallel_loop3A_177 = arith.index_cast %parallel_loop3A_97 : i32 to index
      %parallel_loop3A_178 = arith.constant 80 : index
      %parallel_loop3A_179 = tpu.vector_load %arg7[%parallel_loop3A_177, %parallel_loop3A_178] {strides = array<i32>} : memref<256x128xf32, #tpu.memory_space<vmem>>, vector<1x16xf32>,
      %parallel_loop3A_180 = vector.shape_cast %parallel_loop3A_179 : vector<1x16xf32> to vector<16xf32>
      %parallel_loop3A_181 = vector.shape_cast %parallel_loop3A_176 : vector<16xf32> to vector<1x16xf32>
      tpu.vector_store %arg7[%parallel_loop3A_177, %parallel_loop3A_178], %parallel_loop3A_181 {strides = array<i32>} : memref<256x128xf32, #tpu.memory_space<vmem>>, vector<1x16xf32>,
      %parallel_loop3A_182 = arith.index_cast %parallel_loop3A_97 : i32 to index
      %parallel_loop3A_183 = arith.constant 96 : index
      %parallel_loop3A_184 = tpu.vector_load %arg7[%parallel_loop3A_182, %parallel_loop3A_183] {strides = array<i32>} : memref<256x128xf32, #tpu.memory_space<vmem>>, vector<1x16xf32>,
      %parallel_loop3A_185 = vector.shape_cast %parallel_loop3A_184 : vector<1x16xf32> to vector<16xf32>
      %parallel_loop3A_186 = arith.index_cast %parallel_loop3A_97 : i32 to index
      %parallel_loop3A_187 = arith.constant 96 : index
      %parallel_loop3A_188 = tpu.vector_load %arg8[%parallel_loop3A_186, %parallel_loop3A_187] {strides = array<i32>} : memref<256x128xf32, #tpu.memory_space<vmem>>, vector<1x16xf32>,
      %parallel_loop3A_189 = vector.shape_cast %parallel_loop3A_188 : vector<1x16xf32> to vector<16xf32>
      %parallel_loop3A_190 = arith.addf %parallel_loop3A_185, %parallel_loop3A_189 : vector<16xf32>
      %parallel_loop3A_191 = arith.index_cast %parallel_loop3A_97 : i32 to index
      %parallel_loop3A_192 = arith.constant 96 : index
      %parallel_loop3A_193 = tpu.vector_load %arg7[%parallel_loop3A_191, %parallel_loop3A_192] {strides = array<i32>} : memref<256x128xf32, #tpu.memory_space<vmem>>, vector<1x16xf32>,
      %parallel_loop3A_194 = vector.shape_cast %parallel_loop3A_193 : vector<1x16xf32> to vector<16xf32>
      %parallel_loop3A_195 = vector.shape_cast %parallel_loop3A_190 : vector<16xf32> to vector<1x16xf32>
      tpu.vector_store %arg7[%parallel_loop3A_191, %parallel_loop3A_192], %parallel_loop3A_195 {strides = array<i32>} : memref<256x128xf32, #tpu.memory_space<vmem>>, vector<1x16xf32>,
      %parallel_loop3A_196 = arith.index_cast %parallel_loop3A_97 : i32 to index
      %parallel_loop3A_197 = arith.constant 112 : index
      %parallel_loop3A_198 = tpu.vector_load %arg7[%parallel_loop3A_196, %parallel_loop3A_197] {strides = array<i32>} : memref<256x128xf32, #tpu.memory_space<vmem>>, vector<1x16xf32>,
      %parallel_loop3A_199 = vector.shape_cast %parallel_loop3A_198 : vector<1x16xf32> to vector<16xf32>
      %parallel_loop3A_200 = arith.index_cast %parallel_loop3A_97 : i32 to index
      %parallel_loop3A_201 = arith.constant 112 : index
      %parallel_loop3A_202 = tpu.vector_load %arg8[%parallel_loop3A_200, %parallel_loop3A_201] {strides = array<i32>} : memref<256x128xf32, #tpu.memory_space<vmem>>, vector<1x16xf32>,
      %parallel_loop3A_203 = vector.shape_cast %parallel_loop3A_202 : vector<1x16xf32> to vector<16xf32>
      %parallel_loop3A_204 = arith.addf %parallel_loop3A_199, %parallel_loop3A_203 : vector<16xf32>
      %parallel_loop3A_205 = arith.index_cast %parallel_loop3A_97 : i32 to index
      %parallel_loop3A_206 = arith.constant 112 : index
      %parallel_loop3A_207 = tpu.vector_load %arg7[%parallel_loop3A_205, %parallel_loop3A_206] {strides = array<i32>} : memref<256x128xf32, #tpu.memory_space<vmem>>, vector<1x16xf32>,
      %parallel_loop3A_208 = vector.shape_cast %parallel_loop3A_207 : vector<1x16xf32> to vector<16xf32>
      %parallel_loop3A_209 = vector.shape_cast %parallel_loop3A_204 : vector<16xf32> to vector<1x16xf32>
      tpu.vector_store %arg7[%parallel_loop3A_205, %parallel_loop3A_206], %parallel_loop3A_209 {strides = array<i32>} : memref<256x128xf32, #tpu.memory_space<vmem>>, vector<1x16xf32>,
    } {sc.loop_unroll_factor = 4 : i64, sc.parallel_access}
    %add3A_61 = arith.constant 128 : i32
    %add3A_62 = arith.addi %mul3A_2, %add3A_61 : i32
    %dma_start3A_63 = arith.constant 128 : i32
    %dma_start3A_64 = arith.constant 0 : i32
    %dma_start3A_65 = tpu.memref_slice %arg7[%dma_start3A_63, %dma_start3A_64] : memref<256x128xf32, #tpu.memory_space<vmem>> -> memref<128x128xf32, #tpu.memory_space<vmem>>
    %dma_start3A_66 = arith.constant 0 : i32
    %dma_start3A_67 = tpu.memref_slice %arg5[%add3A_62, %dma_start3A_66] : memref<8192x128xf32, #tpu.memory_space<hbm>> -> memref<128x128xf32, #tpu.memory_space<hbm>>
    %dma_start3A_68 = arith.constant 0 : i32
    %dma_start3A_69 = tpu.memref_slice %arg5[%add3A_62, %dma_start3A_68] : memref<8192x128xf32, #tpu.memory_space<hbm>> -> memref<128x128xf32, #tpu.memory_space<hbm>>
    %dma_start3A_70 = arith.constant 128 : i32
    %dma_start3A_71 = arith.constant 0 : i32
    %dma_start3A_72 = tpu.memref_slice %arg7[%dma_start3A_70, %dma_start3A_71] : memref<256x128xf32, #tpu.memory_space<vmem>> -> memref<128x128xf32, #tpu.memory_space<vmem>>
    tpu.enqueue_dma source(%dma_start3A_72 : memref<128x128xf32, #tpu.memory_space<vmem>>) target(%dma_start3A_69 : memref<128x128xf32, #tpu.memory_space<hbm>>) target_semaphore(%arg10 : memref<!tpu.dma_semaphore, #tpu.memory_space<semaphore_mem>>)
    %add3A_73 = arith.constant 0 : i32
    %add3A_74 = arith.addi %mul3A_2, %add3A_73 : i32
    %dma_wait3A_75 = arith.constant 0 : i32
    %dma_wait3A_76 = arith.constant 0 : i32
    %dma_wait3A_77 = tpu.memref_slice %arg7[%dma_wait3A_75, %dma_wait3A_76] : memref<256x128xf32, #tpu.memory_space<vmem>> -> memref<128x128xf32, #tpu.memory_space<vmem>>
    %dma_wait3A_78 = arith.constant 0 : i32
    %dma_wait3A_79 = tpu.memref_slice %arg5[%add3A_74, %dma_wait3A_78] : memref<8192x128xf32, #tpu.memory_space<hbm>> -> memref<128x128xf32, #tpu.memory_space<hbm>>
    %dma_wait3A_80 = arith.constant 0 : i32
    %dma_wait3A_81 = tpu.memref_slice %arg5[%add3A_74, %dma_wait3A_80] : memref<8192x128xf32, #tpu.memory_space<hbm>> -> memref<128x128xf32, #tpu.memory_space<hbm>>
    %dma_wait3A_82 = arith.constant 0 : i32
    %dma_wait3A_83 = arith.constant 0 : i32
    %dma_wait3A_84 = tpu.memref_slice %arg7[%dma_wait3A_82, %dma_wait3A_83] : memref<256x128xf32, #tpu.memory_space<vmem>> -> memref<128x128xf32, #tpu.memory_space<vmem>>
    tpu.wait_dma2 semaphore(%arg10 : memref<!tpu.dma_semaphore, #tpu.memory_space<semaphore_mem>>) src(%dma_wait3A_84 : memref<128x128xf32, #tpu.memory_space<vmem>>) dst(%dma_wait3A_81 : memref<128x128xf32, #tpu.memory_space<hbm>>)
    %add3A_85 = arith.constant 128 : i32
    %add3A_86 = arith.addi %mul3A_2, %add3A_85 : i32
    %dma_wait3A_87 = arith.constant 128 : i32
    %dma_wait3A_88 = arith.constant 0 : i32
    %dma_wait3A_89 = tpu.memref_slice %arg7[%dma_wait3A_87, %dma_wait3A_88] : memref<256x128xf32, #tpu.memory_space<vmem>> -> memref<128x128xf32, #tpu.memory_space<vmem>>
    %dma_wait3A_90 = arith.constant 0 : i32
    %dma_wait3A_91 = tpu.memref_slice %arg5[%add3A_86, %dma_wait3A_90] : memref<8192x128xf32, #tpu.memory_space<hbm>> -> memref<128x128xf32, #tpu.memory_space<hbm>>
    %dma_wait3A_92 = arith.constant 0 : i32
    %dma_wait3A_93 = tpu.memref_slice %arg5[%add3A_86, %dma_wait3A_92] : memref<8192x128xf32, #tpu.memory_space<hbm>> -> memref<128x128xf32, #tpu.memory_space<hbm>>
    %dma_wait3A_94 = arith.constant 128 : i32
    %dma_wait3A_95 = arith.constant 0 : i32
    %dma_wait3A_96 = tpu.memref_slice %arg7[%dma_wait3A_94, %dma_wait3A_95] : memref<256x128xf32, #tpu.memory_space<vmem>> -> memref<128x128xf32, #tpu.memory_space<vmem>>
    tpu.wait_dma2 semaphore(%arg10 : memref<!tpu.dma_semaphore, #tpu.memory_space<semaphore_mem>>) src(%dma_wait3A_96 : memref<128x128xf32, #tpu.memory_space<vmem>>) dst(%dma_wait3A_93 : memref<128x128xf32, #tpu.memory_space<hbm>>)
    return
  }
}

</mosaic_0001>

<sc_bundles>
// kernel: kernel.3.cloned.1.call-start
scs
__scs_entry_jumppad:
0x0: {  	(pc) =	sbr.rel $0x88, $3  }
0x1: {  	(tag) =	ssettag $0x0;
	lr =	simm.s32 $0x1  }
0x2: {  	[smem:$0x3F9E] =	sst lr;
	_ =	strace $0xD0000000  }
0x3: {  	_ = 	snop  }
0x4: {  	_ = 	snop  }
0x5: {  	_ = 	snop  }
0x6: {  	_ = 	snop  }
0x7: {  	_ = 	snop  }
__scs_overlays_trampoline_lowered:
0x8: {  	[smem:$0x3FAD] =	sst s0  }
0x9: {  	[smem:$0x3FAE] =	sst s1  }
0xa: {  	[smem:$0x3FAF] =	sst s2  }
0xb: {  	[smem:$0x3FB0] =	sst s3  }
0xc: {  	[smem:$0x3FB1] =	sst s4  }
0xd: {  	[smem:$0x3FB2] =	sst s5  }
0xe: {  	[smem:$0x3FB3] =	sst s6  }
0xf: {  	[smem:$0x3FB4] =	sst s7  }
0x10: {  	[smem:$0x3FB5] =	sst s8  }
0x11: {  	[smem:$0x3FB6] =	sst s9;
	s0 =	simm.s32 @!p0 $0x0  }
0x12: {  	s1 =	sld [smem:$0x3F9C];
	s0 =	simm.s32 @p0 $0x1  }
0x13: {  	[smem:$0x3FB7] =	sst s0;
	s0 =	simm.s32 @!p1 $0x0  }
0x14: {  	s2 =	sld [smem:$0x3F9B];
	s0 =	simm.s32 @p1 $0x1  }
0x15: {  	[smem:$0x3FB8] =	sst s0;
	s0 =	simm.s32 @!p2 $0x0  }
0x16: {  	s3 =	sld [smem:$0x3FDB];
	s0 =	simm.s32 @p2 $0x1  }
0x17: {  	s4 =	simm.s32 $0x1BF5;
	[smem:$0x3FBA] =	sst s0  }
0x18: {  	s0 =	sld [smem:$0x3F9D];
	_ =	swait.ge [sflag:s4], $0x0  }
0x19: {  	s7 =	sld [smem:$0x3F9E]  }
0x1a: {  	s8 =	sadd.s32 $0xFFFFE003, lr  }
0x1b: {  	s9 =	sadd.s32 $0xFFFFFEF7, lr;
	s5 =	simm.s32 $0xFFFFFFFF;
	p2 =	slt.u32 s8, $0xFFFFF086  }
0x1c: {  	p1 =	slt.u32 s9, $0xF7A;
	s5 =	simm.s32 @!p2 $0x0  }
0x1d: {  	s5 =	simm.s32 @p1 $0x1;
	p0 =	seq.s32 s7, s2  }
0x1e: {  	s7 =	smul.u32 @!p0 $0xF7A, s2;
	p2 =	seq.s32 @!p0 s5, $0x0  }
0x1f: {  	s9 =	smul.u32 $0xF7A, s1;
	s8 =	simm.s32 @!p0 $0x1BF5;
	p2 =	por !p2, p0  }
0x20: {  	[sflag:s8] =	ssyncset.s32 @!p0 $0xFFFFF086;
	s6 =	sadd.s32 @!p0 s3, s7;
	s7 =	simm.s32 @!p0 $0x108  }
0x21: {  	s3 =	sadd.s32 s3, s9;
	s6 =	sadd.s32 @!p0 $0x88, s6;
	s7 =	simm.s32 @p2 $0x1082  }
0x22: {  	[simem:s7], [sflag:s8] =	dma.local @!p0 [hbm:s6], $0xF7A  }
0x23: {  	s9 =	sor.u32 $0xD0000000, s2;
	s6 =	simm.s32 $0x108;
	_ =	swait.ge @!p0 [sflag:s8], $0x0  }
0x24: {  	s3 =	sadd.s32 $0x88, s3;
	s6 =	simm.s32 @!p1 $0x1082;
	[sflag:s4] =	ssyncset.s32 $0xFFFFF086  }
0x25: {  	[simem:s6], [sflag:s4] =	dma.local [hbm:s3], $0xF7A  }
0x26: {  	[smem:$0x3F9E] =	sst s1;
	(tag) =	ssettag s2;
	_ =	strace s9  }
0x27: {  	s1 =	sld [smem:$0x3FAE]  }
0x28: {  	s2 =	sld [smem:$0x3FAF]  }
0x29: {  	s4 =	sld [smem:$0x3FB1]  }
0x2a: {  	p0 =	seq.s32 s5, $0x0;
	s5 =	sld [smem:$0x3FB2]  }
0x2b: {  	s6 =	sld [smem:$0x3FB3]  }
0x2c: {  	s7 =	sld [smem:$0x3FB4]  }
0x2d: {  	s3 =	simm.s32 $0x108;
	s8 =	sld [smem:$0x3FB5]  }
0x2e: {  	s3 =	simm.s32 @!p0 $0x1082;
	s9 =	sld [smem:$0x3FB6]  }
0x2f: {  	lr =	sadd.s32 s0, s3;
	s0 =	sld [smem:$0x3FAD]  }
0x30: {  	s3 =	sld [smem:$0x3FB0]  }
0x31: {  	[smem:$0x3FB9] =	sst s10  }
0x32: {  	s10 =	sld [smem:$0x3FB7];
	_ =	sdelay $0x3  }
0x33: {  	p0 =	seq.s32 s10, $0x1;
	s10 =	sld [smem:$0x3FB9];
	_ =	sdelay $0x3  }
0x34: {  	[smem:$0x3FB9] =	sst s10  }
0x35: {  	s10 =	sld [smem:$0x3FB8];
	_ =	sdelay $0x3  }
0x36: {  	p1 =	seq.s32 s10, $0x1;
	s10 =	sld [smem:$0x3FB9];
	_ =	sdelay $0x3  }
0x37: {  	[smem:$0x3FB9] =	sst s10  }
0x38: {  	s10 =	sld [smem:$0x3FBA]  }
0x39: {  	_ = 	snop;
	(pc) =	sbr.ind lr, $3  }
0x3a: {  	_ = 	snop  }
0x3b: {  	_ = 	snop  }
0x3c: {  	p2 =	seq.s32 s10, $0x1;
	s10 =	sld [smem:$0x3FB9]  }
0x3d: {  	_ =	shalt  }
0x3e: {  	_ =	shalt  }
0x3f: {  	_ =	shalt  }
0x40: {  	_ =	shalt  }
0x41: {  	_ =	shalt  }
0x42: {  	_ =	shalt  }
0x43: {  	_ =	shalt  }
0x44: {  	_ =	shalt  }
0x45: {  	_ =	shalt  }
0x46: {  	_ =	shalt  }
0x47: {  	_ =	shalt  }
0x48: {  	_ =	shalt  }
0x49: {  	_ =	shalt  }
0x4a: {  	_ =	shalt  }
0x4b: {  	_ =	shalt  }
0x4c: {  	_ =	shalt  }
0x4d: {  	_ =	shalt  }
0x4e: {  	_ =	shalt  }
0x4f: {  	_ =	shalt  }
0x50: {  	_ =	shalt  }
0x51: {  	_ =	shalt  }
0x52: {  	_ =	shalt  }
0x53: {  	_ =	shalt  }
0x54: {  	_ =	shalt  }
0x55: {  	_ =	shalt  }
0x56: {  	_ =	shalt  }
0x57: {  	_ =	shalt  }
0x58: {  	_ =	shalt  }
0x59: {  	_ =	shalt  }
0x5a: {  	_ =	shalt  }
0x5b: {  	_ =	shalt  }
0x5c: {  	_ =	shalt  }
0x5d: {  	_ =	shalt  }
0x5e: {  	_ =	shalt  }
0x5f: {  	_ =	shalt  }
0x60: {  	_ =	shalt  }
0x61: {  	_ =	shalt  }
0x62: {  	_ =	shalt  }
0x63: {  	_ =	shalt  }
0x64: {  	_ =	shalt  }
0x65: {  	_ =	shalt  }
0x66: {  	_ =	shalt  }
0x67: {  	_ =	shalt  }
0x68: {  	_ =	shalt  }
0x69: {  	_ =	shalt  }
0x6a: {  	_ =	shalt  }
0x6b: {  	_ =	shalt  }
0x6c: {  	_ =	shalt  }
0x6d: {  	_ =	shalt  }
0x6e: {  	_ =	shalt  }
0x6f: {  	_ =	shalt  }
0x70: {  	_ =	shalt  }
0x71: {  	_ =	shalt  }
0x72: {  	_ =	shalt  }
0x73: {  	_ =	shalt  }
0x74: {  	_ =	shalt  }
0x75: {  	_ =	shalt  }
0x76: {  	_ =	shalt  }
0x77: {  	_ =	shalt  }
0x78: {  	_ =	shalt  }
0x79: {  	_ =	shalt  }
0x7a: {  	_ =	shalt  }
0x7b: {  	_ =	shalt  }
0x7c: {  	_ =	shalt  }
0x7d: {  	_ =	shalt  }
0x7e: {  	_ =	shalt  }
0x7f: {  	_ =	shalt  }
0x80: {  	_ =	shalt  }
0x81: {  	_ =	shalt  }
0x82: {  	_ =	shalt  }
0x83: {  	_ =	shalt  }
0x84: {  	_ =	shalt  }
0x85: {  	_ =	shalt  }
0x86: {  	_ =	shalt  }
0x87: {  	_ =	shalt  }
.Lfunc_end0:
.L_simem_size_0:
called_computation_lowered:
.L_overlay_start_0:
0x88: {  	s2 =	sld [smem:$0x3FD9]  }
0x89: {  	s3 =	sld [smem:$0x3FFE];
	_ =	sdelay $0x1  }
0x8a: {  	s1 =	srdreg.scid  }
0x8b: {  	s0 =	sand.u32 $0x1, s1  }
0x8c: {  	s17 =	sshll.u32 s0, $0xA;
	s2 =	sadd.s32 s3, s2  }
0x8d: {  	s2 =	sadd.s32 s2, s17  }
0x8e: {  	[smem:$0x3FC5] =	sst s2  }
0x8f: {  	_ = 	snop  }
0x90: {  	s2 =	sld [smem:$0x3FC8]  }
0x91: {  	s18 =	sld [smem:$0x3FC7]  }
0x92: {  	s4 =	sld [smem:$0x3FD0];
	(tm) =	ssettm $0x1  }
0x93: {  	s5 =	sld [smem:$0x3FFB];
	_ =	sdelay $0x3  }
0x94: {  	_ =	strace s5  }
0x95: {  	s5 =	sld [smem:$0x3FFC];
	_ =	sdelay $0x3  }
0x96: {  	_ =	strace s5  }
0x97: {  	s5 =	sld [smem:$0x3FFD];
	_ =	sdelay $0x3  }
0x98: {  	_ =	strace s5  }
0x99: {  	_ =	strace $0x8FFFFFFF  }
0x9a: {  	s19 =	sld [smem:$0x3FDB];
	_ =	sdelay $0x1  }
0x9b: {  	s6 =	simm.s32 $_scs_section_size  }
0x9c: {  	s7 =	simm.s32 $_size__tile_overlayer_lowered;
	s8 =	simm.s32 $_tile_overlayer_lowered  }
0x9d: {  	s22 =	simm.s32 $0x1BFF;
	s21 =	sshll.u32 s8, $0x1;
	s5 =	sadd.s32 s6, s19  }
0x9e: {  	s9 =	simm.s32 $0x0;
	s20 =	sshll.u32 s7, $0x1;
	s7 =	sadd.s32 s21, s5  }
0x9f: {  	[timem:s9], [sflag:s22] =	dma.local [hbm:s7], s20  }
0xa0: {  	_ =	swait.ge [sflag:s22], s20  }
0xa1: {  	s6 =	ssub.s32 $0x0, s20;
	[sflag:s22] =	ssyncset.done $0x0  }
0xa2: {  	[sflag:s22] =	ssyncadd.s32 s6;
	_ =	sdelay $0x1  }
0xa3: {  	s23 =	simm.s32 $0x1B8B  }
0xa4: {  	_ =	swait.ge [sflag:s23], $0x1  }
0xa5: {  	[sflag:s23] =	ssyncset.done $0x0  }
0xa6: {  	s25 =	simm.s32 $0x1B8E;
	s24 =	sld [smem:$0x3FFE];
	[sflag:s23] =	ssyncadd.s32 $0xFFFFFFFF  }
0xa7: {  	s26 =	simm.s32 $execute0_lowered;
	[smem:$0x3FD2] =	sst s25  }
0xa8: {  	s7 =	sshll.u32 s26, $0x1;
	_ =	strace $0x80000046;
	[dreg:$0x1] =	wrdreg $0xFFFFFFFF  }
0xa9: {  	s28 =	simm.s32 $_size_execute0_lowered;
	s5 =	sadd.s32 s5, s7;
	[dreg:$0x0] =	wrdreg $0x0  }
0xaa: {  	s7 =	sshll.u32 s28, $0x1;
	[dreg:$0x2] =	wrdreg s5  }
0xab: {  	[dreg:$0x3] =	wrdreg s7  }
0xac: {  	[dreg:$0x4] =	wrdreg $0xC0  }
0xad: {  	_ =	task [dreg:s9], $0x5FFFF  }
0xae: {  	[dreg:$0x1] =	wrdreg $0xFFFFFFFF  }
0xaf: {  	[dreg:$0x0] =	wrdreg $0x60  }
0xb0: {  	[dreg:$0x2] =	wrdreg s24  }
0xb1: {  	[dreg:$0x3] =	wrdreg s2  }
0xb2: {  	[dreg:$0x4] =	wrdreg s18  }
0xb3: {  	[dreg:$0x5] =	wrdreg s4  }
0xb4: {  	[dreg:$0x6] =	wrdreg $0x9  }
0xb5: {  	_ =	task.clear_ibuf [dreg:s9], $0x7FFFF;
	_ =	strace $0x90000046  }
0xb6: {  	s29 =	simm.s32 $0x9;
	_ =	strace $0x80000048  }
0xb7: {  	_ =	swait.ge [sflag:s29], $0x1  }
0xb8: {  	[sflag:s29] =	ssyncadd.s32 $0xFFFFFFFF  }
0xb9: {  	_ =	strace $0x90000048  }
0xba: {  	_ =	sfence  }
0xbb: {  	s30 =	sld [smem:$0x0];
	_ =	sdelay $0x2  }
0xbc: {  	s31 =	sshll.u32 s1, $0xD;
	s1 =	sshrl.u32 s1, $0x2  }
0xbd: {  	s3 =	sand.u32 $0x4000, s31;
	s1 =	sadd.s32 s1, s30  }
0xbe: {  	s0 =	sor.u32 s3, s0;
	s1 =	sshll.u32 s1, $0x11  }
0xbf: {  	s0 =	sor.u32 s1, s0  }
0xc0: {  	s0 =	sadd.s32 $0x8F2B, s0  }
0xc1: {  	[sflag:s0] =	ssyncadd.remote.s32 $0x1  }
0xc2: {  	_ =	sfence.sel $0xFFFF  }
0xc3: {  	[dreg:$0x0] =	wrdreg $0xFFFFFFFF;
	(pc) =	sbr.abs _section_cstart, $3  }
0xc4: {  	[dreg:$0x1] =	wrdreg $0xFFFFFFFF  }
0xc5: {  	_ =	task.clear_ibuf [dreg:s9], $0x2FFFF;
	_ =	strace $0x9FFFFFFF  }
0xc6: {  	(tm) =	ssettm $0x7FFFFFFF  }
0xc7: {  	_ =	shalt  }
tec
execute0_lowered:
.L_overlay_start_1:
0x0: {  	(tag) =	ssettag $0x1  }
0x1: {  	s4 =	rddreg [dreg:$0x0]  }
0x2: {  	s1 =	rddreg [dreg:$0x1]  }
0x3: {  	s6 =	rddreg [dreg:$0x2]  }
0x4: {  	s5 =	rddreg [dreg:$0x3]  }
0x5: {  	s0 =	rddreg [dreg:$0x4];
	s7 =	srdreg.scid  }
0x6: {  	s2 =	stileid.u32;
	s3 =	simm.s32 $0x0;
	s11 =	simm.s32 $0x100  }
0x7: {  	s12 =	simm.s32 $0x4100;
	s13 =	simm.s32 $0x8100;
	s14 =	simm.s32 $0x1  }
0x8: {  	s15 =	simm.s32 $0x2;
	s7 =	sand.u32 $0x1, s7;
	s8 =	sshll.u32 s2, $0x1  }
0x9: {  	s16 =	simm.s32 $0x0;
	[smem:$0x7FF] =	sst s3;
	s8 =	sor.u32 s7, s8  }
0xa: {  	_ =	strace $0x80000047;
	s7 =	ssub.s32 $0x2, s7;
	s9 =	sshll.u32 s8, $0x5  }
0xb: {  	s30 =	sshrl.u32 s7, $0x1;
	s8 =	sshll.u32 s8, $0xC;
	s9 =	sadd.s32 s9, s4  }
0xc: {  	s10 =	ssub.s32 s7, s30;
	s31 =	sand.u32 $0x7000, s8;
	s4 =	sadd.s32 s5, s8  }
0xd: {  	s5 =	sadd.s32 $0x400, s9;
	s6 =	sadd.s32 s6, s31;
	s7 =	sadd.s32 $0x800, s4  }
0xe: {  	s8 =	smax.u32 s10, $0x1;
	s9 =	simm.s32 $0x3;
	s10 =	simm.s32 $0x80  }
.LBB2_1:
0xf: {  	[tilespmem:s3], [sflag:$0x3] =	stream.linear.gather [hbm4b:s5+s3], $0x100, $0x38;
	[tilespmem:$0x10100] =	vst v63  }
0x10: {  	_ =	swait.ge [sflag:s9], $0x100  }
0x11: {  	[sflag:s9] =	ssyncset.done $0x0  }
0x12: {  	[sflag:s9] =	ssyncadd.s32 $0xFFFFFF00  }
0x13: {  	[tilespmem:s11], [sflag:$0x1] =	stream.indirect.gather [hbm4b:s1+s10], $0x80, s3, s10, $0xb8;
	[tilespmem:$0x10100] =	vst v63  }
0x14: {  	_ = 	snop  }
0x15: {  	[tilespmem:s12], [sflag:$0x1] =	stream.indirect.gather [hbm4b:s1+s10], $0x80, s10, s10, $0xb8;
	[tilespmem:$0x10100] =	vst v63  }
0x16: {  	_ = 	snop  }
0x17: {  	[tilespmem:s13], [sflag:$0x3] =	stream.linear.gather [hbm4b:s6+s3], $0x8000, $0x38;
	[tilespmem:$0x10100] =	vst v63  }
0x18: {  	_ =	swait.ge [sflag:s9], $0x8000  }
0x19: {  	[sflag:s9] =	ssyncset.done $0x0  }
0x1a: {  	[sflag:s9] =	ssyncadd.s32 $0xFFFF8000  }
0x1b: {  	_ =	swait.ge [sflag:s14], $0x4000  }
0x1c: {  	[sflag:s14] =	ssyncset.done $0x0  }
0x1d: {  	s17 =	simm.s32 $0x200;
	[sflag:s14] =	ssyncadd.s32 $0xFFFFC000  }
0x1e: {  	s18 =	simm.s32 $0x8200;
	v0 =	vld [tilespmem:s17+$0x80]  }
0x1f: {  	v1 =	vld [tilespmem:s18+$0x80]  }
0x20: {  	v2 =	vld [tilespmem:s17+$0xFFFFFF80]  }
0x21: {  	v3 =	vld [tilespmem:s18+$0xFFFFFF80]  }
0x22: {  	v4 =	vld [tilespmem:s17+$0x0]  }
0x23: {  	v5 =	vld [tilespmem:s18+$0x0]  }
0x24: {  	v6 =	vld [tilespmem:s17+$0xFFFFFF00];
	v0 =	vadd.f32 v1, v0  }
0x25: {  	v1 =	vld [tilespmem:s18+$0xFFFFFF00]  }
0x26: {  	[tilespmem:s17+$0x80] =	vst v0;
	v0 =	vld [tilespmem:s17+$0x90]  }
0x27: {  	v2 =	vadd.f32 v3, v2;
	v3 =	vld [tilespmem:s18+$0x90]  }
0x28: {  	v7 =	vld [tilespmem:s17+$0xFFFFFF10]  }
0x29: {  	[tilespmem:s17+$0xFFFFFF80] =	vst v2;
	v2 =	vadd.f32 v5, v4;
	v4 =	vld [tilespmem:s17+$0xFFFFFF90]  }
0x2a: {  	v5 =	vld [tilespmem:s18+$0xFFFFFF90];
	v1 =	vadd.f32 v1, v6  }
0x2b: {  	[tilespmem:s17+$0x0] =	vst v2;
	v2 =	vld [tilespmem:s17+$0x10]  }
0x2c: {  	v6 =	vld [tilespmem:s18+$0x10];
	[tilespmem:s17+$0xFFFFFF00] =	vst v1;
	v0 =	vadd.f32 v3, v0  }
0x2d: {  	v1 =	vld [tilespmem:s18+$0xFFFFFF10]  }
0x2e: {  	[tilespmem:s17+$0x90] =	vst v0;
	v0 =	vld [tilespmem:s17+$0xA0]  }
0x2f: {  	v3 =	vadd.f32 v5, v4;
	v4 =	vld [tilespmem:s18+$0xA0]  }
0x30: {  	v5 =	vld [tilespmem:s17+$0xFFFFFF20]  }
0x31: {  	[tilespmem:s17+$0xFFFFFF90] =	vst v3;
	v2 =	vadd.f32 v6, v2;
	v3 =	vld [tilespmem:s17+$0xFFFFFFA0]  }
0x32: {  	v6 =	vld [tilespmem:s18+$0xFFFFFFA0];
	v1 =	vadd.f32 v1, v7  }
0x33: {  	[tilespmem:s17+$0x10] =	vst v2;
	v2 =	vld [tilespmem:s17+$0x20]  }
0x34: {  	v7 =	vld [tilespmem:s18+$0x20];
	[tilespmem:s17+$0xFFFFFF10] =	vst v1;
	v0 =	vadd.f32 v4, v0  }
0x35: {  	v1 =	vld [tilespmem:s18+$0xFFFFFF20]  }
0x36: {  	[tilespmem:s17+$0xA0] =	vst v0;
	v0 =	vld [tilespmem:s17+$0xB0]  }
0x37: {  	v3 =	vadd.f32 v6, v3;
	v4 =	vld [tilespmem:s18+$0xB0]  }
0x38: {  	v6 =	vld [tilespmem:s17+$0xFFFFFF30]  }
0x39: {  	[tilespmem:s17+$0xFFFFFFA0] =	vst v3;
	v2 =	vadd.f32 v7, v2;
	v3 =	vld [tilespmem:s17+$0xFFFFFFB0]  }
0x3a: {  	v7 =	vld [tilespmem:s18+$0xFFFFFFB0];
	v1 =	vadd.f32 v1, v5  }
0x3b: {  	[tilespmem:s17+$0x20] =	vst v2;
	v2 =	vld [tilespmem:s17+$0x30]  }
0x3c: {  	v5 =	vld [tilespmem:s18+$0x30];
	[tilespmem:s17+$0xFFFFFF20] =	vst v1;
	v0 =	vadd.f32 v4, v0  }
0x3d: {  	v1 =	vld [tilespmem:s18+$0xFFFFFF30]  }
0x3e: {  	[tilespmem:s17+$0xB0] =	vst v0;
	v0 =	vld [tilespmem:s17+$0xC0]  }
0x3f: {  	v3 =	vadd.f32 v7, v3;
	v4 =	vld [tilespmem:s18+$0xC0]  }
0x40: {  	v7 =	vld [tilespmem:s17+$0xFFFFFF40]  }
0x41: {  	[tilespmem:s17+$0xFFFFFFB0] =	vst v3;
	v2 =	vadd.f32 v5, v2;
	v3 =	vld [tilespmem:s17+$0xFFFFFFC0]  }
0x42: {  	v5 =	vld [tilespmem:s18+$0xFFFFFFC0];
	v1 =	vadd.f32 v1, v6  }
0x43: {  	[tilespmem:s17+$0x30] =	vst v2;
	v2 =	vld [tilespmem:s17+$0x40]  }
0x44: {  	v6 =	vld [tilespmem:s18+$0x40];
	[tilespmem:s17+$0xFFFFFF30] =	vst v1;
	v0 =	vadd.f32 v4, v0  }
0x45: {  	v1 =	vld [tilespmem:s18+$0xFFFFFF40]  }
0x46: {  	[tilespmem:s17+$0xC0] =	vst v0;
	v0 =	vld [tilespmem:s17+$0xD0]  }
0x47: {  	v3 =	vadd.f32 v5, v3;
	v4 =	vld [tilespmem:s18+$0xD0]  }
0x48: {  	v5 =	vld [tilespmem:s17+$0xFFFFFF50]  }
0x49: {  	[tilespmem:s17+$0xFFFFFFC0] =	vst v3;
	v2 =	vadd.f32 v6, v2;
	v3 =	vld [tilespmem:s17+$0xFFFFFFD0]  }
0x4a: {  	v6 =	vld [tilespmem:s18+$0xFFFFFFD0];
	v1 =	vadd.f32 v1, v7  }
0x4b: {  	[tilespmem:s17+$0x40] =	vst v2;
	v2 =	vld [tilespmem:s17+$0x50]  }
0x4c: {  	v7 =	vld [tilespmem:s18+$0x50];
	[tilespmem:s17+$0xFFFFFF40] =	vst v1;
	v0 =	vadd.f32 v4, v0  }
0x4d: {  	v1 =	vld [tilespmem:s18+$0xFFFFFF50]  }
0x4e: {  	[tilespmem:s17+$0xD0] =	vst v0;
	v0 =	vld [tilespmem:s17+$0xE0]  }
0x4f: {  	v3 =	vadd.f32 v6, v3;
	v4 =	vld [tilespmem:s18+$0xE0]  }
0x50: {  	v6 =	vld [tilespmem:s17+$0xFFFFFF60]  }
0x51: {  	[tilespmem:s17+$0xFFFFFFD0] =	vst v3;
	v2 =	vadd.f32 v7, v2;
	v3 =	vld [tilespmem:s17+$0xFFFFFFE0]  }
0x52: {  	v7 =	vld [tilespmem:s18+$0xFFFFFFE0];
	v1 =	vadd.f32 v1, v5  }
0x53: {  	[tilespmem:s17+$0x50] =	vst v2;
	v2 =	vld [tilespmem:s17+$0x60]  }
0x54: {  	v5 =	vld [tilespmem:s18+$0x60];
	[tilespmem:s17+$0xFFFFFF50] =	vst v1;
	v0 =	vadd.f32 v4, v0  }
0x55: {  	v4 =	vld [tilespmem:s18+$0xFFFFFF60]  }
0x56: {  	v8 =	vld [tilespmem:s17+$0xF0];
	[tilespmem:s17+$0xE0] =	vst v0  }
0x57: {  	v1 =	vadd.f32 v7, v3;
	v7 =	vld [tilespmem:s18+$0xF0]  }
0x58: {  	v0 =	vld [tilespmem:s17+$0xFFFFFF70]  }
0x59: {  	[tilespmem:s17+$0xFFFFFFE0] =	vst v1;
	v2 =	vadd.f32 v5, v2;
	v1 =	vld [tilespmem:s17+$0xFFFFFFF0]  }
0x5a: {  	v3 =	vld [tilespmem:s18+$0xFFFFFFF0];
	v4 =	vadd.f32 v4, v6  }
0x5b: {  	[tilespmem:s17+$0x60] =	vst v2;
	v2 =	vld [tilespmem:s17+$0x70]  }
0x5c: {  	[tilespmem:s17+$0xFFFFFF60] =	vst v4;
	v4 =	vld [tilespmem:s18+$0x70];
	v6 =	vadd.f32 v7, v8  }
0x5d: {  	s19 =	simm.s32 $0x0;
	s20 =	simm.s32 $0x400;
	v5 =	vld [tilespmem:s18+$0xFFFFFF70]  }
.LBB2_2:
0x5e: {  	v7 =	vld [tilespmem:s20+$0x80];
	[tilespmem:s17+$0xF0] =	vst v6;
	s18 =	sadd.s32 $0x200, s18  }
0x5f: {  	s19 =	sadd.s32 $0x4, s19;
	v6 =	vld [tilespmem:s18+$0x80];
	v1 =	vadd.f32 v3, v1  }
0x60: {  	p0 =	slt.u32 s19, $0x7C;
	v3 =	vld [tilespmem:s18+$0xFFFFFF00]  }
0x61: {  	v8 =	vld [tilespmem:s20+$0xFFFFFF80];
	[tilespmem:s17+$0xFFFFFFF0] =	vst v1;
	v1 =	vadd.f32 v4, v2  }
0x62: {  	v2 =	vld [tilespmem:s18+$0xFFFFFF80];
	v0 =	vadd.f32 v5, v0  }
0x63: {  	v4 =	vld [tilespmem:s20+$0x0];
	[tilespmem:s17+$0x70] =	vst v1  }
0x64: {  	v1 =	vld [tilespmem:s18+$0x0];
	v5 =	vadd.f32 v6, v7;
	[tilespmem:s17+$0xFFFFFF70] =	vst v0;
	s17 =	smov.u32 s20  }
0x65: {  	v0 =	vld [tilespmem:s20+$0xFFFFFF00]  }
0x66: {  	[tilespmem:s20+$0x80] =	vst v5;
	v5 =	vld [tilespmem:s20+$0x90]  }
0x67: {  	v2 =	vadd.f32 v2, v8;
	v6 =	vld [tilespmem:s18+$0x90]  }
0x68: {  	v7 =	vld [tilespmem:s20+$0xFFFFFF10]  }
0x69: {  	[tilespmem:s20+$0xFFFFFF80] =	vst v2;
	v2 =	vld [tilespmem:s20+$0xFFFFFF90];
	v1 =	vadd.f32 v1, v4  }
0x6a: {  	v0 =	vadd.f32 v3, v0;
	v3 =	vld [tilespmem:s18+$0xFFFFFF90]  }
0x6b: {  	[tilespmem:s20+$0x0] =	vst v1;
	v1 =	vld [tilespmem:s20+$0x10]  }
0x6c: {  	[tilespmem:s20+$0xFFFFFF00] =	vst v0;
	v0 =	vld [tilespmem:s18+$0x10];
	v4 =	vadd.f32 v6, v5  }
0x6d: {  	v5 =	vld [tilespmem:s18+$0xFFFFFF10]  }
0x6e: {  	[tilespmem:s20+$0x90] =	vst v4;
	v4 =	vld [tilespmem:s20+$0xA0]  }
0x6f: {  	v2 =	vadd.f32 v3, v2;
	v3 =	vld [tilespmem:s18+$0xA0]  }
0x70: {  	v6 =	vld [tilespmem:s20+$0xFFFFFF20]  }
0x71: {  	[tilespmem:s20+$0xFFFFFF90] =	vst v2;
	v2 =	vld [tilespmem:s20+$0xFFFFFFA0];
	v0 =	vadd.f32 v0, v1  }
0x72: {  	v1 =	vadd.f32 v5, v7;
	v5 =	vld [tilespmem:s18+$0xFFFFFFA0]  }
0x73: {  	[tilespmem:s20+$0x10] =	vst v0;
	v0 =	vld [tilespmem:s20+$0x20]  }
0x74: {  	[tilespmem:s20+$0xFFFFFF10] =	vst v1;
	v1 =	vld [tilespmem:s18+$0x20];
	v3 =	vadd.f32 v3, v4  }
0x75: {  	v4 =	vld [tilespmem:s18+$0xFFFFFF20]  }
0x76: {  	[tilespmem:s20+$0xA0] =	vst v3;
	v3 =	vld [tilespmem:s20+$0xB0]  }
0x77: {  	v2 =	vadd.f32 v5, v2;
	v5 =	vld [tilespmem:s18+$0xB0]  }
0x78: {  	v7 =	vld [tilespmem:s20+$0xFFFFFF30]  }
0x79: {  	[tilespmem:s20+$0xFFFFFFA0] =	vst v2;
	v2 =	vld [tilespmem:s20+$0xFFFFFFB0];
	v0 =	vadd.f32 v1, v0  }
0x7a: {  	v1 =	vadd.f32 v4, v6;
	v4 =	vld [tilespmem:s18+$0xFFFFFFB0]  }
0x7b: {  	[tilespmem:s20+$0x20] =	vst v0;
	v0 =	vld [tilespmem:s20+$0x30]  }
0x7c: {  	[tilespmem:s20+$0xFFFFFF20] =	vst v1;
	v1 =	vld [tilespmem:s18+$0x30];
	v3 =	vadd.f32 v5, v3  }
0x7d: {  	v5 =	vld [tilespmem:s18+$0xFFFFFF30]  }
0x7e: {  	[tilespmem:s20+$0xB0] =	vst v3;
	v3 =	vld [tilespmem:s20+$0xC0]  }
0x7f: {  	v2 =	vadd.f32 v4, v2;
	v4 =	vld [tilespmem:s18+$0xC0]  }
0x80: {  	v6 =	vld [tilespmem:s20+$0xFFFFFF40]  }
0x81: {  	[tilespmem:s20+$0xFFFFFFB0] =	vst v2;
	v2 =	vld [tilespmem:s20+$0xFFFFFFC0];
	v0 =	vadd.f32 v1, v0  }
0x82: {  	v1 =	vadd.f32 v5, v7;
	v5 =	vld [tilespmem:s18+$0xFFFFFFC0]  }
0x83: {  	[tilespmem:s20+$0x30] =	vst v0;
	v0 =	vld [tilespmem:s20+$0x40]  }
0x84: {  	[tilespmem:s20+$0xFFFFFF30] =	vst v1;
	v1 =	vld [tilespmem:s18+$0x40];
	v3 =	vadd.f32 v4, v3  }
0x85: {  	v4 =	vld [tilespmem:s18+$0xFFFFFF40]  }
0x86: {  	[tilespmem:s20+$0xC0] =	vst v3;
	v3 =	vld [tilespmem:s20+$0xD0]  }
0x87: {  	v2 =	vadd.f32 v5, v2;
	v5 =	vld [tilespmem:s18+$0xD0]  }
0x88: {  	v7 =	vld [tilespmem:s20+$0xFFFFFF50]  }
0x89: {  	[tilespmem:s20+$0xFFFFFFC0] =	vst v2;
	v2 =	vld [tilespmem:s20+$0xFFFFFFD0];
	v0 =	vadd.f32 v1, v0  }
0x8a: {  	v1 =	vadd.f32 v4, v6;
	v4 =	vld [tilespmem:s18+$0xFFFFFFD0]  }
0x8b: {  	[tilespmem:s20+$0x40] =	vst v0;
	v0 =	vld [tilespmem:s20+$0x50]  }
0x8c: {  	[tilespmem:s20+$0xFFFFFF40] =	vst v1;
	v1 =	vld [tilespmem:s18+$0x50];
	v3 =	vadd.f32 v5, v3  }
0x8d: {  	v5 =	vld [tilespmem:s18+$0xFFFFFF50]  }
0x8e: {  	[tilespmem:s20+$0xD0] =	vst v3;
	v3 =	vld [tilespmem:s20+$0xE0]  }
0x8f: {  	v2 =	vadd.f32 v4, v2;
	v4 =	vld [tilespmem:s18+$0xE0]  }
0x90: {  	v6 =	vld [tilespmem:s20+$0xFFFFFF60]  }
0x91: {  	[tilespmem:s20+$0xFFFFFFD0] =	vst v2;
	v2 =	vld [tilespmem:s20+$0xFFFFFFE0];
	v0 =	vadd.f32 v1, v0  }
0x92: {  	v1 =	vadd.f32 v5, v7;
	v5 =	vld [tilespmem:s18+$0xFFFFFFE0]  }
0x93: {  	[tilespmem:s20+$0x50] =	vst v0;
	v7 =	vld [tilespmem:s20+$0x60]  }
0x94: {  	[tilespmem:s20+$0xFFFFFF50] =	vst v1;
	v8 =	vld [tilespmem:s18+$0x60];
	v0 =	vadd.f32 v4, v3  }
0x95: {  	v3 =	vld [tilespmem:s18+$0xFFFFFF60]  }
0x96: {  	[tilespmem:s20+$0xE0] =	vst v0;
	v9 =	vld [tilespmem:s20+$0xF0]  }
0x97: {  	v1 =	vadd.f32 v5, v2;
	v5 =	vld [tilespmem:s18+$0xF0]  }
0x98: {  	v0 =	vld [tilespmem:s20+$0xFFFFFF70]  }
.Ltmp0:
0x99: {  	[tilespmem:s20+$0xFFFFFFE0] =	vst v1;
	v1 =	vld [tilespmem:s20+$0xFFFFFFF0];
	v2 =	vadd.f32 v8, v7;
	(pc) =	sbr.rel @p0 .LBB2_2-.Ltmp0, $4  }
0x9a: {  	v4 =	vadd.f32 v3, v6;
	v3 =	vld [tilespmem:s18+$0xFFFFFFF0]  }
0x9b: {  	[tilespmem:s20+$0x60] =	vst v2;
	v2 =	vld [tilespmem:s20+$0x70]  }
0x9c: {  	[tilespmem:s20+$0xFFFFFF60] =	vst v4;
	v4 =	vld [tilespmem:s18+$0x70];
	v6 =	vadd.f32 v5, v9  }
0x9d: {  	s20 =	sadd.s32 $0x200, s20;
	v5 =	vld [tilespmem:s18+$0xFFFFFF70]  }
0x9e: {  	_ =	sdelay $0x1  }
0x9f: {  	v1 =	vadd.f32 v3, v1  }
0xa0: {  	[tilespmem:s17+$0xF0] =	vst v6;
	v2 =	vadd.f32 v4, v2  }
0xa1: {  	[tilespmem:s17+$0xFFFFFFF0] =	vst v1;
	v0 =	vadd.f32 v5, v0  }
0xa2: {  	[tilespmem:s17+$0x70] =	vst v2  }
0xa3: {  	s31 =	simm.s32 $0x0;
	[tilespmem:s17+$0xFFFFFF70] =	vst v0  }
0xa4: {  	[hbm4b:s4+s31] =	stream.linear.scatter [tilespmem:s11], [sflag:$0x2], $0x4000, $0x38;
	[tilespmem:$0x10100] =	vst v63  }
0xa5: {  	_ =	swait.ge [sflag:s14], $0x4000  }
0xa6: {  	[sflag:s14] =	ssyncset.done $0x0  }
0xa7: {  	s17 =	simm.s32 $0x0;
	[sflag:s14] =	ssyncadd.s32 $0xFFFFC000  }
0xa8: {  	v0 =	vld [tilespmem:s17+$0x4100]  }
0xa9: {  	v1 =	vld [tilespmem:s17+$0xC100]  }
0xaa: {  	v2 =	vld [tilespmem:s17+$0x4110]  }
0xab: {  	v3 =	vld [tilespmem:s17+$0xC110]  }
0xac: {  	v4 =	vld [tilespmem:s17+$0x4120]  }
0xad: {  	v5 =	vld [tilespmem:s17+$0xC120]  }
0xae: {  	v6 =	vld [tilespmem:s17+$0xC130]  }
0xaf: {  	v7 =	vld [tilespmem:s17+$0x42F0]  }
0xb0: {  	v8 =	vld [tilespmem:s17+$0xC2F0]  }
0xb1: {  	v9 =	vld [tilespmem:s17+$0xC160]  }
0xb2: {  	v10 =	vld [tilespmem:s17+$0x4180]  }
0xb3: {  	v11 =	vld [tilespmem:s17+$0xC180]  }
0xb4: {  	v12 =	vld [tilespmem:s17+$0x4190]  }
0xb5: {  	v13 =	vld [tilespmem:s17+$0xC190]  }
0xb6: {  	v14 =	vld [tilespmem:s17+$0x41A0]  }
0xb7: {  	v45 =	vld [tilespmem:s17+$0x41B0]  }
0xb8: {  	v15 =	vld [tilespmem:s17+$0x4170]  }
0xb9: {  	v47 =	vld [tilespmem:s17+$0x41C0]  }
0xba: {  	v48 =	vld [tilespmem:s17+$0xC1C0]  }
0xbb: {  	v16 =	vld [tilespmem:s17+$0xC170]  }
0xbc: {  	v49 =	vld [tilespmem:s17+$0x41D0]  }
0xbd: {  	v17 =	vld [tilespmem:s17+$0xC1D0]  }
0xbe: {  	v18 =	vld [tilespmem:s17+$0x4200]  }
0xbf: {  	v19 =	vld [tilespmem:s17+$0xC200]  }
0xc0: {  	v20 =	vld [tilespmem:s17+$0x4210]  }
0xc1: {  	v21 =	vld [tilespmem:s17+$0xC210]  }
0xc2: {  	v22 =	vld [tilespmem:s17+$0x4220]  }
0xc3: {  	v50 =	vld [tilespmem:s17+$0xC220]  }
0xc4: {  	v51 =	vld [tilespmem:s17+$0x4230]  }
0xc5: {  	v23 =	vld [tilespmem:s17+$0x41E0]  }
0xc6: {  	v53 =	vld [tilespmem:s17+$0x4240]  }
0xc7: {  	v0 =	vadd.f32 v1, v0;
	v1 =	vld [tilespmem:s17+$0x4130]  }
0xc8: {  	v54 =	vld [tilespmem:s17+$0xC240]  }
0xc9: {  	v55 =	vld [tilespmem:s17+$0xC1E0]  }
0xca: {  	v56 =	vld [tilespmem:s17+$0x4250];
	v10 =	vadd.f32 v11, v10  }
0xcb: {  	v46 =	vadd.f32 v13, v12;
	[tilespmem:s17+$0x4100] =	vst v0;
	v0 =	vadd.f32 v3, v2;
	v2 =	vld [tilespmem:s17+$0x4140]  }
0xcc: {  	[tilespmem:s17+$0x4180] =	vst v10;
	v1 =	vadd.f32 v6, v1;
	v6 =	vld [tilespmem:s17+$0xC1A0]  }
0xcd: {  	v18 =	vadd.f32 v19, v18;
	v3 =	vld [tilespmem:s17+$0xC140];
	[tilespmem:s17+$0x4190] =	vst v46  }
0xce: {  	v52 =	vadd.f32 v21, v20;
	[tilespmem:s17+$0x4110] =	vst v0;
	v0 =	vadd.f32 v5, v4;
	v4 =	vld [tilespmem:s17+$0x4150]  }
0xcf: {  	[tilespmem:s17+$0x4200] =	vst v18;
	v5 =	vld [tilespmem:s17+$0xC150]  }
0xd0: {  	v57 =	vld [tilespmem:s17+$0x41F0];
	v7 =	vadd.f32 v8, v7;
	[tilespmem:s17+$0x4210] =	vst v52  }
0xd1: {  	[tilespmem:s17+$0x4120] =	vst v0;
	v0 =	vld [tilespmem:s17+$0x4160];
	v6 =	vadd.f32 v6, v14  }
0xd2: {  	v58 =	vld [tilespmem:s17+$0x4260];
	[tilespmem:s17+$0x42F0] =	vst v7  }
0xd3: {  	v2 =	vadd.f32 v3, v2;
	[tilespmem:s17+$0x41A0] =	vst v6;
	v6 =	vld [tilespmem:s17+$0xC230]  }
0xd4: {  	[tilespmem:s17+$0x4130] =	vst v1;
	v1 =	vld [tilespmem:s17+$0xC1B0];
	v4 =	vadd.f32 v5, v4  }
0xd5: {  	v59 =	vld [tilespmem:s17+$0xC260];
	[tilespmem:s17+$0x4140] =	vst v2;
	v14 =	vadd.f32 v50, v22  }
0xd6: {  	v5 =	vld [tilespmem:s17+$0x4280];
	v0 =	vadd.f32 v9, v0;
	[tilespmem:s17+$0x4150] =	vst v4  }
0xd7: {  	v2 =	vld [tilespmem:s17+$0xC280];
	v4 =	vadd.f32 v16, v15;
	[tilespmem:s17+$0x4220] =	vst v14  }
0xd8: {  	v60 =	vld [tilespmem:s17+$0xC290];
	[tilespmem:s17+$0x4160] =	vst v0;
	v6 =	vadd.f32 v6, v51  }
0xd9: {  	v7 =	vld [tilespmem:s17+$0x4290];
	v1 =	vadd.f32 v1, v45;
	[tilespmem:s17+$0x4170] =	vst v4  }
0xda: {  	v0 =	vadd.f32 v48, v47;
	[tilespmem:s17+$0x4230] =	vst v6;
	v6 =	vld [tilespmem:s17+$0xC1F0]  }
0xdb: {  	v61 =	vld [tilespmem:s17+$0x42A0];
	v4 =	vadd.f32 v17, v49;
	[tilespmem:s17+$0x41B0] =	vst v1  }
0xdc: {  	v63 =	vld [tilespmem:s17+$0xC270];
	v2 =	vadd.f32 v2, v5;
	[tilespmem:s17+$0x41C0] =	vst v0  }
0xdd: {  	v1 =	vld [tilespmem:s17+$0xC250];
	v0 =	vadd.f32 v55, v23;
	[tilespmem:s17+$0x41D0] =	vst v4  }
0xde: {  	v3 =	vld [tilespmem:s17+$0x4270];
	[tilespmem:s17+$0x4280] =	vst v2;
	v2 =	vadd.f32 v60, v7  }
0xdf: {  	v62 =	vld [tilespmem:s17+$0xC2A0];
	[tilespmem:s17+$0x41E0] =	vst v0;
	v0 =	vadd.f32 v6, v57  }
0xe0: {  	v5 =	vld [tilespmem:s17+$0xC2B0];
	[tilespmem:s17+$0x4290] =	vst v2;
	v6 =	vadd.f32 v54, v53  }
0xe1: {  	v4 =	vld [tilespmem:s17+$0x42B0];
	v7 =	vadd.f32 v59, v58;
	[tilespmem:s17+$0x41F0] =	vst v0  }
0xe2: {  	v0 =	vld [tilespmem:s17+$0x42C0];
	[tilespmem:s17+$0x4240] =	vst v6;
	v6 =	vadd.f32 v1, v56  }
0xe3: {  	[tilespmem:s17+$0x4260] =	vst v7;
	v7 =	vadd.f32 v63, v3;
	v1 =	vld [tilespmem:s17+$0xC2C0]  }
0xe4: {  	v2 =	vld [tilespmem:s17+$0x42D0];
	[tilespmem:s17+$0x4250] =	vst v6;
	v6 =	vadd.f32 v62, v61  }
0xe5: {  	v3 =	vld [tilespmem:s17+$0xC2D0];
	[tilespmem:s17+$0x4270] =	vst v7  }
0xe6: {  	s18 =	simm.s32 $0x80;
	s19 =	simm.s32 $0x800;
	v5 =	vadd.f32 v5, v4;
	v4 =	vld [tilespmem:s17+$0x42E0];
	[tilespmem:s17+$0x42A0] =	vst v6  }
.LBB2_4:
0xe7: {  	s20 =	sshra.s32 s19, $0x2;
	v6 =	vld [tilespmem:s17+$0xC2E0]  }
0xe8: {  	s18 =	sadd.s32 $0x4, s18;
	v7 =	vld [tilespmem:s20+$0x42F0];
	[tilespmem:s17+$0x42B0] =	vst v5;
	v0 =	vadd.f32 v1, v0  }
0xe9: {  	p0 =	slt.u32 s18, $0xFC;
	v1 =	vld [tilespmem:s20+$0xC2F0]  }
0xea: {  	v5 =	vld [tilespmem:s20+$0x4100];
	[tilespmem:s17+$0x42C0] =	vst v0;
	v0 =	vadd.f32 v3, v2  }
0xeb: {  	v2 =	vld [tilespmem:s20+$0xC100]  }
0xec: {  	v3 =	vld [tilespmem:s20+$0x4110];
	[tilespmem:s17+$0x42D0] =	vst v0;
	v0 =	vadd.f32 v6, v4  }
0xed: {  	v4 =	vld [tilespmem:s20+$0xC110]  }
0xee: {  	v6 =	vld [tilespmem:s20+$0x4120];
	v1 =	vadd.f32 v1, v7;
	[tilespmem:s17+$0x42E0] =	vst v0;
	s17 =	smov.u32 s20  }
0xef: {  	v0 =	vld [tilespmem:s17+$0xC120]  }
0xf0: {  	v2 =	vadd.f32 v2, v5;
	v5 =	vld [tilespmem:s17+$0x4130];
	[tilespmem:s17+$0x42F0] =	vst v1  }
0xf1: {  	v1 =	vld [tilespmem:s17+$0xC130]  }
0xf2: {  	[tilespmem:s17+$0x4100] =	vst v2;
	v2 =	vadd.f32 v4, v3;
	v3 =	vld [tilespmem:s17+$0x4140]  }
0xf3: {  	v4 =	vld [tilespmem:s17+$0xC140]  }
0xf4: {  	[tilespmem:s17+$0x4110] =	vst v2;
	v0 =	vadd.f32 v0, v6;
	v2 =	vld [tilespmem:s17+$0x4150]  }
0xf5: {  	v6 =	vld [tilespmem:s17+$0xC150]  }
0xf6: {  	[tilespmem:s17+$0x4120] =	vst v0;
	v0 =	vadd.f32 v1, v5;
	v1 =	vld [tilespmem:s17+$0x4160]  }
0xf7: {  	v5 =	vld [tilespmem:s17+$0xC160]  }
0xf8: {  	[tilespmem:s17+$0x4130] =	vst v0;
	v0 =	vadd.f32 v4, v3;
	v3 =	vld [tilespmem:s17+$0x4170]  }
0xf9: {  	v4 =	vld [tilespmem:s17+$0xC170]  }
0xfa: {  	[tilespmem:s17+$0x4140] =	vst v0;
	v0 =	vadd.f32 v6, v2;
	v2 =	vld [tilespmem:s17+$0x4180]  }
0xfb: {  	v6 =	vld [tilespmem:s17+$0xC180]  }
0xfc: {  	[tilespmem:s17+$0x4150] =	vst v0;
	v0 =	vadd.f32 v5, v1;
	v1 =	vld [tilespmem:s17+$0x4190]  }
0xfd: {  	v5 =	vld [tilespmem:s17+$0xC190]  }
0xfe: {  	[tilespmem:s17+$0x4160] =	vst v0;
	v0 =	vadd.f32 v4, v3;
	v3 =	vld [tilespmem:s17+$0x41A0]  }
0xff: {  	v4 =	vld [tilespmem:s17+$0xC1A0]  }
0x100: {  	[tilespmem:s17+$0x4170] =	vst v0;
	v0 =	vadd.f32 v6, v2;
	v2 =	vld [tilespmem:s17+$0x41B0]  }
0x101: {  	v6 =	vld [tilespmem:s17+$0xC1B0]  }
0x102: {  	[tilespmem:s17+$0x4180] =	vst v0;
	v0 =	vadd.f32 v5, v1;
	v1 =	vld [tilespmem:s17+$0x41C0]  }
0x103: {  	v5 =	vld [tilespmem:s17+$0xC1C0]  }
0x104: {  	[tilespmem:s17+$0x4190] =	vst v0;
	v0 =	vadd.f32 v4, v3;
	v3 =	vld [tilespmem:s17+$0x41D0]  }
0x105: {  	v4 =	vld [tilespmem:s17+$0xC1D0]  }
0x106: {  	[tilespmem:s17+$0x41A0] =	vst v0;
	v0 =	vadd.f32 v6, v2;
	v2 =	vld [tilespmem:s17+$0x41E0]  }
0x107: {  	v6 =	vld [tilespmem:s17+$0xC1E0]  }
0x108: {  	[tilespmem:s17+$0x41B0] =	vst v0;
	v0 =	vadd.f32 v5, v1;
	v1 =	vld [tilespmem:s17+$0x41F0]  }
0x109: {  	v5 =	vld [tilespmem:s17+$0xC1F0]  }
0x10a: {  	[tilespmem:s17+$0x41C0] =	vst v0;
	v0 =	vadd.f32 v4, v3;
	v3 =	vld [tilespmem:s17+$0x4200]  }
0x10b: {  	v4 =	vld [tilespmem:s17+$0xC200]  }
0x10c: {  	[tilespmem:s17+$0x41D0] =	vst v0;
	v0 =	vadd.f32 v6, v2;
	v2 =	vld [tilespmem:s17+$0x4210]  }
0x10d: {  	v6 =	vld [tilespmem:s17+$0xC210]  }
0x10e: {  	[tilespmem:s17+$0x41E0] =	vst v0;
	v0 =	vadd.f32 v5, v1;
	v1 =	vld [tilespmem:s17+$0x4220]  }
0x10f: {  	v5 =	vld [tilespmem:s17+$0xC220]  }
0x110: {  	[tilespmem:s17+$0x41F0] =	vst v0;
	v0 =	vadd.f32 v4, v3;
	v3 =	vld [tilespmem:s17+$0x4230]  }
0x111: {  	v4 =	vld [tilespmem:s17+$0xC230]  }
0x112: {  	[tilespmem:s17+$0x4200] =	vst v0;
	v0 =	vadd.f32 v6, v2;
	v2 =	vld [tilespmem:s17+$0x4240]  }
0x113: {  	v6 =	vld [tilespmem:s17+$0xC240]  }
0x114: {  	[tilespmem:s17+$0x4210] =	vst v0;
	v0 =	vadd.f32 v5, v1;
	v1 =	vld [tilespmem:s17+$0x4250]  }
0x115: {  	v5 =	vld [tilespmem:s17+$0xC250]  }
0x116: {  	[tilespmem:s17+$0x4220] =	vst v0;
	v0 =	vadd.f32 v4, v3;
	v3 =	vld [tilespmem:s17+$0x4260]  }
0x117: {  	v4 =	vld [tilespmem:s17+$0xC260]  }
0x118: {  	[tilespmem:s17+$0x4230] =	vst v0;
	v0 =	vadd.f32 v6, v2;
	v2 =	vld [tilespmem:s17+$0x4270]  }
0x119: {  	v6 =	vld [tilespmem:s17+$0xC270]  }
0x11a: {  	[tilespmem:s17+$0x4240] =	vst v0;
	v0 =	vadd.f32 v5, v1;
	v1 =	vld [tilespmem:s17+$0x4280]  }
0x11b: {  	v5 =	vld [tilespmem:s17+$0xC280]  }
0x11c: {  	[tilespmem:s17+$0x4250] =	vst v0;
	v0 =	vadd.f32 v4, v3;
	v3 =	vld [tilespmem:s17+$0x4290]  }
0x11d: {  	v4 =	vld [tilespmem:s17+$0xC290]  }
0x11e: {  	[tilespmem:s17+$0x4260] =	vst v0;
	v0 =	vadd.f32 v6, v2;
	v2 =	vld [tilespmem:s17+$0x42A0]  }
0x11f: {  	v6 =	vld [tilespmem:s17+$0xC2A0]  }
0x120: {  	[tilespmem:s17+$0x4270] =	vst v0;
	v0 =	vadd.f32 v5, v1;
	v5 =	vld [tilespmem:s17+$0x42B0]  }
0x121: {  	v7 =	vld [tilespmem:s17+$0xC2B0]  }
.Ltmp1:
0x122: {  	[tilespmem:s17+$0x4280] =	vst v0;
	v3 =	vadd.f32 v4, v3;
	v0 =	vld [tilespmem:s17+$0x42C0];
	(pc) =	sbr.rel @p0 .LBB2_4-.Ltmp1, $4  }
0x123: {  	v1 =	vld [tilespmem:s17+$0xC2C0]  }
0x124: {  	[tilespmem:s17+$0x4290] =	vst v3;
	v4 =	vadd.f32 v6, v2;
	v2 =	vld [tilespmem:s17+$0x42D0]  }
0x125: {  	v3 =	vld [tilespmem:s17+$0xC2D0]  }
0x126: {  	s19 =	sadd.s32 $0x800, s19;
	[tilespmem:s17+$0x42A0] =	vst v4;
	v5 =	vadd.f32 v7, v5;
	v4 =	vld [tilespmem:s17+$0x42E0]  }
0x127: {  	v6 =	vld [tilespmem:s17+$0xC2E0];
	_ =	sdelay $0x2  }
0x128: {  	v0 =	vadd.f32 v1, v0  }
0x129: {  	[tilespmem:s17+$0x42B0] =	vst v5;
	v62 =	vadd.f32 v3, v2  }
0x12a: {  	[tilespmem:s17+$0x42C0] =	vst v0;
	v63 =	vadd.f32 v6, v4  }
0x12b: {  	[tilespmem:s17+$0x42D0] =	vst v62  }
0x12c: {  	s16 =	sadd.s32 $0x1, s16;
	[tilespmem:s17+$0x42E0] =	vst v63  }
0x12d: {  	[hbm4b:s7+s3] =	stream.linear.scatter [tilespmem:s12], [sflag:$0x2], $0x4000, $0x38;
	[tilespmem:$0x10100] =	vst v63  }
0x12e: {  	p0 =	sne.s32 s16, s8;
	_ =	swait.ge [sflag:s15], $0x4000  }
.Ltmp2:
0x12f: {  	[sflag:s15] =	ssyncset.done $0x0;
	(pc) =	sbr.rel @p0 .LBB2_1-.Ltmp2, $4  }
0x130: {  	[sflag:s15] =	ssyncadd.s32 $0xFFFFC000  }
0x131: {  	_ =	swait.ge [sflag:s15], $0x4000  }
0x132: {  	[sflag:s15] =	ssyncset.done $0x0  }
0x133: {  	[sflag:s15] =	ssyncadd.s32 $0xFFFFC000  }
0x134: {  	_ =	sfence.sel $0x180000  }
0x135: {  	[bflag:$0x0] =	sbarrier.arrive $0xFFFF  }
0x136: {  	p0 =	sne.s32 s2, $0x0;
	_ =	strace $0x90000047  }
0x137: {  	s0 =	sadd.s32 @!p0 $0x100000, s0;
	[bflag:$0x2] =	sbarrier.arrive $0xFFFF  }
0x138: {  	[sflag:s0] =	ssyncadd.tile.s32 @!p0 $0x1;
	_ =	shalt  }
.Lfunc_end2:
_tile_overlayer_lowered:
.L_overlay_start_2:
0x139: {  	(tag) =	ssettag $0x2  }
0x13a: {  	s0 =	rddreg [dreg:$0x0];
	s2 =	stileid.u32  }
0x13b: {  	s1 =	rddreg [dreg:$0x1];
	p0 =	sne.s32 s2, $0x0  }
0x13c: {  	s3 =	rddreg [dreg:$0x2];
	[bflag:$0x3] =	sbarrier.arrive $0xFFFF;
	s2 =	simm.s32 @!p0 $0x1C03  }
0x13d: {  	[timem:s3], [sflag:s2] =	dma.local @!p0 [hbm:s0], s1  }
0x13e: {  	s0 =	simm.s32 @!p0 $0x3  }
0x13f: {  	_ =	swait.ge @!p0 [sflag:s0], s1  }
0x140: {  	s1 =	ssub.s32 @!p0 $0x0, s1;
	[sflag:s0] =	ssyncset.done @!p0 $0x0  }
0x141: {  	[sflag:s0] =	ssyncadd.s32 @!p0 s1  }
0x142: {  	[bflag:$0x3] =	sbarrier.arrive $0xFFFF  }
0x143: {  	_ =	shalt  }

</sc_bundles>
